<compile_context>
chip_gen: v7x
topology: tpu7x:2x2x1
jax: 0.10.2.dev20260603
libtpu: 0.0.44.dev20260713+nightly
codegen_flags: <defaults>
</compile_context>

<pallas_src>
import functools

import jax
import jax.numpy as jnp
from jax import lax
from jax.experimental import pallas as pl
from jax.experimental.pallas import tpu as pltpu
from jax.experimental.pallas import tpu_sc as plsc

VOCAB = 1000000
MAXLEN = 200
EMBED = 64
BATCH = 1024
SEQ = 200

LANES = 16
NW = 32
SEQ_PER_W = BATCH // NW
CHUNK0 = 128
CHUNK1 = SEQ - CHUNK0
NBUF = 4
N_CHUNKS = 2 * SEQ_PER_W
N_ROUNDS = N_CHUNKS // NBUF


def _chunk_geom(c):
  return c // 2, (c % 2) * CHUNK0, CHUNK1 if c % 2 else CHUNK0


def _make_kernel():
  mesh = plsc.VectorSubcoreMesh(core_axis_name="c", subcore_axis_name="s")

  @functools.partial(
      pl.kernel,
      mesh=mesh,
      compiler_params=pltpu.CompilerParams(use_tc_tiling_on_sc=False),
      out_type=jax.ShapeDtypeStruct((BATCH, SEQ, EMBED), jnp.float32),
      scratch_types=[
          pltpu.VMEM((SEQ_PER_W, SEQ), jnp.int32),
          pltpu.VMEM((MAXLEN, EMBED), jnp.float32),
          [pltpu.VMEM((CHUNK1 if b % 2 else CHUNK0, EMBED), jnp.float32)
           for b in range(NBUF)],
          [pltpu.SemaphoreType.DMA for _ in range(NBUF)],
          [pltpu.SemaphoreType.DMA for _ in range(NBUF)],
      ],
  )
  def embed(x_hbm, tok_hbm, pos_hbm, out_hbm, idx_v, pos_v, rows, gsem, ssem):
    wid = lax.axis_index("s") * 2 + lax.axis_index("c")
    seq_base = wid * SEQ_PER_W
    pltpu.sync_copy(x_hbm.at[pl.ds(seq_base, SEQ_PER_W), :], idx_v)
    pltpu.sync_copy(pos_hbm, pos_v)

    def gather_start(b, seq, s0, ln):
      pltpu.async_copy(
          tok_hbm.at[idx_v.at[seq, pl.ds(s0, ln)]], rows[b], gsem[b]
      )

    def gather_wait(b, ln):
      pltpu.make_async_copy(tok_hbm.at[pl.ds(0, ln)], rows[b], gsem[b]).wait()

    def store_start(b, seq, s0, ln):
      pltpu.async_copy(
          rows[b], out_hbm.at[seq_base + seq, pl.ds(s0, ln), :], ssem[b]
      )

    def store_wait(b, seq, s0, ln):
      pltpu.make_async_copy(
          rows[b], out_hbm.at[seq_base + seq, pl.ds(s0, ln), :], ssem[b]
      ).wait()

    def add_pos(b, s0, ln):
      def row_body(r, rcarry):
        for d in range(EMBED // LANES):
          sl = pl.ds(d * LANES, LANES)
          plsc.addupdate(rows[b].at[r, sl], pos_v[s0 + r, sl])
        return rcarry

      lax.fori_loop(0, ln, row_body, 0, unroll=4)

    for b in range(NBUF):
      seq, s0, ln = _chunk_geom(b)
      gather_start(b, seq, s0, ln)

    def round_body(i, carry):
      c0 = i * NBUF
      for b in range(NBUF):
        s0 = (b % 2) * CHUNK0
        ln = CHUNK1 if b % 2 else CHUNK0
        seq = (c0 + b) // 2
        gather_wait(b, ln)
        add_pos(b, s0, ln)
        store_start(b, seq, s0, ln)
      for b in range(NBUF):
        s0 = (b % 2) * CHUNK0
        ln = CHUNK1 if b % 2 else CHUNK0
        seq = (c0 + b) // 2

        @pl.when(c0 + b + NBUF < N_CHUNKS)
        def _():
          store_wait(b, seq, s0, ln)
          gather_start(b, (c0 + b + NBUF) // 2, s0, ln)

      return carry

    lax.fori_loop(0, N_ROUNDS, round_body, 0)
    for b in range(NBUF):
      seq, s0, ln = _chunk_geom(N_CHUNKS - NBUF + b)
      store_wait(b, seq, s0, ln)

  return embed


_embed = _make_kernel()


def kernel(x, token_table, pos_table):
  return _embed(x.astype(jnp.int32), token_table, pos_table)

# --- scband reference (transcript-rebuilt; emitter-appended) ---
"""Pipeline reference for scband-token-and-position-embedding-35923106463948 (READ-ONLY COPY).

The authoritative reference and input builder live on the scoring server;
editing this copy changes nothing except your own understanding.
"""

import jax, jax.numpy as jnp
import numpy as np

VOCAB = 1000000
MAXLEN = 200
EMBED = 64
BATCH = 1024
SEQ = 200


def setup_inputs(seed: int = 0) -> dict:
    key = jax.random.key(seed)
    k1, k2, k3 = jax.random.split(key, 3)
    x = jax.random.randint(k1, (BATCH, SEQ), 0, VOCAB, dtype=jnp.int64 if jax.config.jax_enable_x64 else jnp.int32)
    token_table = jax.random.normal(k2, (VOCAB, EMBED), dtype=jnp.float32) * 0.02
    pos_table = jax.random.normal(k3, (MAXLEN, EMBED), dtype=jnp.float32) * 0.02
    return {"x": x, "token_table": token_table, "pos_table": pos_table}


def reference(x, token_table, pos_table):
    # maxlen = shape(x)[-1]
    seqlen = x.shape[-1]
    positions = jnp.arange(0, seqlen, 1)
    pos_embed = jnp.take(pos_table, positions, axis=0)  # [seqlen, embed]
    tok_embed = jnp.take(token_table, x, axis=0)        # [batch, seqlen, embed]
    return tok_embed + pos_embed

if __name__ == "__main__":
    import jax
    _d = setup_inputs()
    print(jax.jit(kernel)(*tuple(_d.values())))

</pallas_src>

<mosaic_0001>
#map = affine_map<(d0, d1) -> (0, 0)>
#map1 = affine_map<(d0, d1) -> (0, 0, 0)>
module attributes {stable_mosaic.version = 14 : i64} {
  func.func @embed(%arg0: i32, %arg1: i32, %arg2: memref<1024x200xi32, #tpu.memory_space<hbm>>, %arg3: memref<1000000x64xf32, #tpu.memory_space<hbm>>, %arg4: memref<200x64xf32, #tpu.memory_space<hbm>>, %arg5: memref<1024x200x64xf32, #tpu.memory_space<hbm>>, %arg6: memref<32x200xi32, #tpu.memory_space<vmem>>, %arg7: memref<200x64xf32, #tpu.memory_space<vmem>>, %arg8: memref<128x64xf32, #tpu.memory_space<vmem>>, %arg9: memref<72x64xf32, #tpu.memory_space<vmem>>, %arg10: memref<128x64xf32, #tpu.memory_space<vmem>>, %arg11: memref<72x64xf32, #tpu.memory_space<vmem>>, %arg12: memref<!tpu.dma_semaphore, #tpu.memory_space<semaphore_mem>>, %arg13: memref<!tpu.dma_semaphore, #tpu.memory_space<semaphore_mem>>, %arg14: memref<!tpu.dma_semaphore, #tpu.memory_space<semaphore_mem>>, %arg15: memref<!tpu.dma_semaphore, #tpu.memory_space<semaphore_mem>>, %arg16: memref<!tpu.dma_semaphore, #tpu.memory_space<semaphore_mem>>, %arg17: memref<!tpu.dma_semaphore, #tpu.memory_space<semaphore_mem>>, %arg18: memref<!tpu.dma_semaphore, #tpu.memory_space<semaphore_mem>>, %arg19: memref<!tpu.dma_semaphore, #tpu.memory_space<semaphore_mem>>) attributes {dimension_semantics = [#tpu.dimension_semantics<core_parallel>, #tpu.dimension_semantics<subcore_parallel>], iteration_bounds = array<i64: 2, 16>, scalar_prefetch = 0 : i64, scratch_operands = 14 : i64, tpu.core_type = #tpu.core_type<sc_vector_subcore>, window_params = [{transform_indices = #map}, {transform_indices = #map}, {transform_indices = #map}, {transform_indices = #map1}]} {
    %mul3A = arith.constant 2 : i32
    %mul3A_0 = arith.muli %arg1, %mul3A : i32
    %add3A = arith.addi %mul3A_0, %arg0 : i32
    %mul3A_1 = arith.constant 32 : i32
    %mul3A_2 = arith.muli %add3A, %mul3A_1 : i32
    "tpu.region"() ({
      %run_scoped3A = tpu.sem_alloc : memref<!tpu.dma_semaphore, #tpu.memory_space<semaphore_mem>>
      %dma_start3A_74 = arith.constant 0 : i32
      %dma_start3A_75 = tpu.memref_slice %arg2[%mul3A_2, %dma_start3A_74] : memref<1024x200xi32, #tpu.memory_space<hbm>> -> memref<32x200xi32, #tpu.memory_space<hbm>>
      %dma_start3A_76 = arith.constant 0 : i32
      %dma_start3A_77 = tpu.memref_slice %arg2[%mul3A_2, %dma_start3A_76] : memref<1024x200xi32, #tpu.memory_space<hbm>> -> memref<32x200xi32, #tpu.memory_space<hbm>>
      tpu.enqueue_dma source(%dma_start3A_77 : memref<32x200xi32, #tpu.memory_space<hbm>>) target(%arg6 : memref<32x200xi32, #tpu.memory_space<vmem>>) target_semaphore(%run_scoped3A : memref<!tpu.dma_semaphore, #tpu.memory_space<semaphore_mem>>)
      %dma_wait3A_78 = arith.constant 0 : i32
      %dma_wait3A_79 = tpu.memref_slice %arg2[%mul3A_2, %dma_wait3A_78] : memref<1024x200xi32, #tpu.memory_space<hbm>> -> memref<32x200xi32, #tpu.memory_space<hbm>>
      %dma_wait3A_80 = arith.constant 0 : i32
      %dma_wait3A_81 = tpu.memref_slice %arg2[%mul3A_2, %dma_wait3A_80] : memref<1024x200xi32, #tpu.memory_space<hbm>> -> memref<32x200xi32, #tpu.memory_space<hbm>>
      tpu.wait_dma2 semaphore(%run_scoped3A : memref<!tpu.dma_semaphore, #tpu.memory_space<semaphore_mem>>) src(%dma_wait3A_81 : memref<32x200xi32, #tpu.memory_space<hbm>>) dst(%arg6 : memref<32x200xi32, #tpu.memory_space<vmem>>)
      tpu.yield
    }) : () -> ()
    "tpu.region"() ({
      %run_scoped3A = tpu.sem_alloc : memref<!tpu.dma_semaphore, #tpu.memory_space<semaphore_mem>>
      tpu.enqueue_dma source(%arg4 : memref<200x64xf32, #tpu.memory_space<hbm>>) target(%arg7 : memref<200x64xf32, #tpu.memory_space<vmem>>) target_semaphore(%run_scoped3A : memref<!tpu.dma_semaphore, #tpu.memory_space<semaphore_mem>>)
      tpu.wait_dma2 semaphore(%run_scoped3A : memref<!tpu.dma_semaphore, #tpu.memory_space<semaphore_mem>>) src(%arg4 : memref<200x64xf32, #tpu.memory_space<hbm>>) dst(%arg7 : memref<200x64xf32, #tpu.memory_space<vmem>>)
      tpu.yield
    }) : () -> ()
    %dma_start3A = arith.constant 0 : i32
    %dma_start3A_3 = arith.constant 0 : i32
    %dma_start3A_4 = tpu.memref_slice %arg6[%dma_start3A, %dma_start3A_3] : memref<32x200xi32, #tpu.memory_space<vmem>> -> memref<1x128xi32, #tpu.memory_space<vmem>>
    %dma_start3A_5 = tpu.memref_squeeze %dma_start3A_4 : memref<1x128xi32, #tpu.memory_space<vmem>> -> memref<128xi32, #tpu.memory_space<vmem>>
    %dma_start3A_6 = arith.constant 0 : i32
    %dma_start3A_7 = arith.constant 0 : i32
    %dma_start3A_8 = tpu.memref_slice %arg3[%dma_start3A_6, %dma_start3A_7] : memref<1000000x64xf32, #tpu.memory_space<hbm>> -> memref<1000000x64xf32, #tpu.memory_space<hbm>>
    tpu.enqueue_indirect_dma source(%dma_start3A_8 : memref<1000000x64xf32, #tpu.memory_space<hbm>>) target(%arg8 : memref<128x64xf32, #tpu.memory_space<vmem>>) offsets(%dma_start3A_5 : memref<128xi32, #tpu.memory_space<vmem>>) semaphore(%arg12 : memref<!tpu.dma_semaphore, #tpu.memory_space<semaphore_mem>>)
    %dma_start3A_9 = arith.constant 0 : i32
    %dma_start3A_10 = arith.constant 128 : i32
    %dma_start3A_11 = tpu.memref_slice %arg6[%dma_start3A_9, %dma_start3A_10] : memref<32x200xi32, #tpu.memory_space<vmem>> -> memref<1x72xi32, #tpu.memory_space<vmem>>
    %dma_start3A_12 = tpu.memref_squeeze %dma_start3A_11 : memref<1x72xi32, #tpu.memory_space<vmem>> -> memref<72xi32, #tpu.memory_space<vmem>>
    %dma_start3A_13 = arith.constant 0 : i32
    %dma_start3A_14 = arith.constant 0 : i32
    %dma_start3A_15 = tpu.memref_slice %arg3[%dma_start3A_13, %dma_start3A_14] : memref<1000000x64xf32, #tpu.memory_space<hbm>> -> memref<1000000x64xf32, #tpu.memory_space<hbm>>
    tpu.enqueue_indirect_dma source(%dma_start3A_15 : memref<1000000x64xf32, #tpu.memory_space<hbm>>) target(%arg9 : memref<72x64xf32, #tpu.memory_space<vmem>>) offsets(%dma_start3A_12 : memref<72xi32, #tpu.memory_space<vmem>>) semaphore(%arg13 : memref<!tpu.dma_semaphore, #tpu.memory_space<semaphore_mem>>)
    %dma_start3A_16 = arith.constant 1 : i32
    %dma_start3A_17 = arith.constant 0 : i32
    %dma_start3A_18 = tpu.memref_slice %arg6[%dma_start3A_16, %dma_start3A_17] : memref<32x200xi32, #tpu.memory_space<vmem>> -> memref<1x128xi32, #tpu.memory_space<vmem>>
    %dma_start3A_19 = tpu.memref_squeeze %dma_start3A_18 : memref<1x128xi32, #tpu.memory_space<vmem>> -> memref<128xi32, #tpu.memory_space<vmem>>
    %dma_start3A_20 = arith.constant 0 : i32
    %dma_start3A_21 = arith.constant 0 : i32
    %dma_start3A_22 = tpu.memref_slice %arg3[%dma_start3A_20, %dma_start3A_21] : memref<1000000x64xf32, #tpu.memory_space<hbm>> -> memref<1000000x64xf32, #tpu.memory_space<hbm>>
    tpu.enqueue_indirect_dma source(%dma_start3A_22 : memref<1000000x64xf32, #tpu.memory_space<hbm>>) target(%arg10 : memref<128x64xf32, #tpu.memory_space<vmem>>) offsets(%dma_start3A_19 : memref<128xi32, #tpu.memory_space<vmem>>) semaphore(%arg14 : memref<!tpu.dma_semaphore, #tpu.memory_space<semaphore_mem>>)
    %dma_start3A_23 = arith.constant 1 : i32
    %dma_start3A_24 = arith.constant 128 : i32
    %dma_start3A_25 = tpu.memref_slice %arg6[%dma_start3A_23, %dma_start3A_24] : memref<32x200xi32, #tpu.memory_space<vmem>> -> memref<1x72xi32, #tpu.memory_space<vmem>>
    %dma_start3A_26 = tpu.memref_squeeze %dma_start3A_25 : memref<1x72xi32, #tpu.memory_space<vmem>> -> memref<72xi32, #tpu.memory_space<vmem>>
    %dma_start3A_27 = arith.constant 0 : i32
    %dma_start3A_28 = arith.constant 0 : i32
    %dma_start3A_29 = tpu.memref_slice %arg3[%dma_start3A_27, %dma_start3A_28] : memref<1000000x64xf32, #tpu.memory_space<hbm>> -> memref<1000000x64xf32, #tpu.memory_space<hbm>>
    tpu.enqueue_indirect_dma source(%dma_start3A_29 : memref<1000000x64xf32, #tpu.memory_space<hbm>>) target(%arg11 : memref<72x64xf32, #tpu.memory_space<vmem>>) offsets(%dma_start3A_26 : memref<72xi32, #tpu.memory_space<vmem>>) semaphore(%arg15 : memref<!tpu.dma_semaphore, #tpu.memory_space<semaphore_mem>>)
    %scan3A = arith.constant 0 : i32
    %scan3A_30 = arith.constant 0 : i32
    %scan3A_31 = arith.constant 16 : i32
    %scan3A_32 = arith.addi %scan3A_30, %scan3A_31 : i32
    %scan3A_33 = arith.constant 1 : i32
    scf.for %scan3A_74 = %scan3A_30 to %scan3A_32 step %scan3A_33  : i32 {
      %mul3A_75 = arith.constant 4 : i32
      %mul3A_76 = arith.muli %scan3A_74, %mul3A_75 : i32
      %add3A_77 = arith.constant 0 : i32
      %add3A_78 = arith.addi %mul3A_76, %add3A_77 : i32
      %jit3A = arith.constant 2 : i32
      %div3A = arith.divsi %add3A_78, %jit3A : i32
      %sign3A = arith.constant 0 : i32
      %sign3A_79 = arith.cmpi sgt, %add3A_78, %sign3A : i32
      %sign3A_80 = arith.extui %sign3A_79 : i1 to i32
      %sign3A_81 = arith.constant 0 : i32
      %sign3A_82 = arith.cmpi slt, %add3A_78, %sign3A_81 : i32
      %sign3A_83 = arith.extui %sign3A_82 : i1 to i32
      %sign3A_84 = arith.subi %sign3A_80, %sign3A_83 : i32
      %sign3A_85 = arith.constant 0 : i32
      %sign3A_86 = arith.cmpi sgt, %jit3A, %sign3A_85 : i32
      %sign3A_87 = arith.extui %sign3A_86 : i1 to i32
      %sign3A_88 = arith.constant 0 : i32
      %sign3A_89 = arith.cmpi slt, %jit3A, %sign3A_88 : i32
      %sign3A_90 = arith.extui %sign3A_89 : i1 to i32
      %sign3A_91 = arith.subi %sign3A_87, %sign3A_90 : i32
      %ne3A = arith.cmpi ne, %sign3A_84, %sign3A_91 : i32
      %rem3A = arith.remsi %add3A_78, %jit3A : i32
      %ne3A_92 = arith.constant 0 : i32
      %ne3A_93 = arith.cmpi ne, %rem3A, %ne3A_92 : i32
      %and3A = arith.andi %ne3A, %ne3A_93 : i1
      %sub3A = arith.constant 1 : i32
      %sub3A_94 = arith.subi %div3A, %sub3A : i32
      %select_n3A = arith.select %and3A, %sub3A_94, %div3A : i32
      %dma_wait3A_95 = arith.constant 0 : i32
      %dma_wait3A_96 = arith.constant 0 : i32
      %dma_wait3A_97 = tpu.memref_slice %arg3[%dma_wait3A_95, %dma_wait3A_96] : memref<1000000x64xf32, #tpu.memory_space<hbm>> -> memref<128x64xf32, #tpu.memory_space<hbm>>
      %dma_wait3A_98 = arith.constant 0 : i32
      %dma_wait3A_99 = arith.constant 0 : i32
      %dma_wait3A_100 = tpu.memref_slice %arg3[%dma_wait3A_98, %dma_wait3A_99] : memref<1000000x64xf32, #tpu.memory_space<hbm>> -> memref<128x64xf32, #tpu.memory_space<hbm>>
      tpu.wait_dma2 semaphore(%arg12 : memref<!tpu.dma_semaphore, #tpu.memory_space<semaphore_mem>>) src(%dma_wait3A_100 : memref<128x64xf32, #tpu.memory_space<hbm>>) dst(%arg8 : memref<128x64xf32, #tpu.memory_space<vmem>>)
      %scan3A_101 = arith.constant 0 : i32
      %scan3A_102 = arith.constant 0 : i32
      %scan3A_103 = arith.constant 128 : i32
      %scan3A_104 = arith.addi %scan3A_102, %scan3A_103 : i32
      %scan3A_105 = arith.constant 4 : i32
      scf.for %scan3A_394 = %scan3A_102 to %scan3A_104 step %scan3A_105  : i32 {
        %add3A_395 = arith.constant 0 : i32
        %add3A_396 = arith.addi %add3A_395, %scan3A_394 : i32
        %get3A = arith.index_cast %add3A_396 : i32 to index
        %get3A_397 = arith.constant 0 : index
        %get3A_398 = tpu.vector_load %arg7[%get3A, %get3A_397] {strides = array<i32>} : memref<200x64xf32, #tpu.memory_space<vmem>>, vector<1x16xf32>,
        %get3A_399 = vector.shape_cast %get3A_398 : vector<1x16xf32> to vector<16xf32>
        %swap3A = arith.index_cast %scan3A_394 : i32 to index
        %swap3A_400 = arith.constant 0 : index
        %swap3A_401 = tpu.vector_load %arg8[%swap3A, %swap3A_400] {strides = array<i32>} : memref<128x64xf32, #tpu.memory_space<vmem>>, vector<1x16xf32>,
        %swap3A_402 = vector.shape_cast %swap3A_401 : vector<1x16xf32> to vector<16xf32>
        %swap3A_403 = vector.shape_cast %get3A_399 : vector<16xf32> to vector<1x16xf32>
        tpu.vector_store %arg8[%swap3A, %swap3A_400], %swap3A_403 {add = true, strides = array<i32>} : memref<128x64xf32, #tpu.memory_space<vmem>>, vector<1x16xf32>,
        %add3A_404 = arith.constant 0 : i32
        %add3A_405 = arith.addi %add3A_404, %scan3A_394 : i32
        %get3A_406 = arith.index_cast %add3A_405 : i32 to index
        %get3A_407 = arith.constant 16 : index
        %get3A_408 = tpu.vector_load %arg7[%get3A_406, %get3A_407] {strides = array<i32>} : memref<200x64xf32, #tpu.memory_space<vmem>>, vector<1x16xf32>,
        %get3A_409 = vector.shape_cast %get3A_408 : vector<1x16xf32> to vector<16xf32>
        %swap3A_410 = arith.index_cast %scan3A_394 : i32 to index
        %swap3A_411 = arith.constant 16 : index
        %swap3A_412 = tpu.vector_load %arg8[%swap3A_410, %swap3A_411] {strides = array<i32>} : memref<128x64xf32, #tpu.memory_space<vmem>>, vector<1x16xf32>,
        %swap3A_413 = vector.shape_cast %swap3A_412 : vector<1x16xf32> to vector<16xf32>
        %swap3A_414 = vector.shape_cast %get3A_409 : vector<16xf32> to vector<1x16xf32>
        tpu.vector_store %arg8[%swap3A_410, %swap3A_411], %swap3A_414 {add = true, strides = array<i32>} : memref<128x64xf32, #tpu.memory_space<vmem>>, vector<1x16xf32>,
        %add3A_415 = arith.constant 0 : i32
        %add3A_416 = arith.addi %add3A_415, %scan3A_394 : i32
        %get3A_417 = arith.index_cast %add3A_416 : i32 to index
        %get3A_418 = arith.constant 32 : index
        %get3A_419 = tpu.vector_load %arg7[%get3A_417, %get3A_418] {strides = array<i32>} : memref<200x64xf32, #tpu.memory_space<vmem>>, vector<1x16xf32>,
        %get3A_420 = vector.shape_cast %get3A_419 : vector<1x16xf32> to vector<16xf32>
        %swap3A_421 = arith.index_cast %scan3A_394 : i32 to index
        %swap3A_422 = arith.constant 32 : index
        %swap3A_423 = tpu.vector_load %arg8[%swap3A_421, %swap3A_422] {strides = array<i32>} : memref<128x64xf32, #tpu.memory_space<vmem>>, vector<1x16xf32>,
        %swap3A_424 = vector.shape_cast %swap3A_423 : vector<1x16xf32> to vector<16xf32>
        %swap3A_425 = vector.shape_cast %get3A_420 : vector<16xf32> to vector<1x16xf32>
        tpu.vector_store %arg8[%swap3A_421, %swap3A_422], %swap3A_425 {add = true, strides = array<i32>} : memref<128x64xf32, #tpu.memory_space<vmem>>, vector<1x16xf32>,
        %add3A_426 = arith.constant 0 : i32
        %add3A_427 = arith.addi %add3A_426, %scan3A_394 : i32
        %get3A_428 = arith.index_cast %add3A_427 : i32 to index
        %get3A_429 = arith.constant 48 : index
        %get3A_430 = tpu.vector_load %arg7[%get3A_428, %get3A_429] {strides = array<i32>} : memref<200x64xf32, #tpu.memory_space<vmem>>, vector<1x16xf32>,
        %get3A_431 = vector.shape_cast %get3A_430 : vector<1x16xf32> to vector<16xf32>
        %swap3A_432 = arith.index_cast %scan3A_394 : i32 to index
        %swap3A_433 = arith.constant 48 : index
        %swap3A_434 = tpu.vector_load %arg8[%swap3A_432, %swap3A_433] {strides = array<i32>} : memref<128x64xf32, #tpu.memory_space<vmem>>, vector<1x16xf32>,
        %swap3A_435 = vector.shape_cast %swap3A_434 : vector<1x16xf32> to vector<16xf32>
        %swap3A_436 = vector.shape_cast %get3A_431 : vector<16xf32> to vector<1x16xf32>
        tpu.vector_store %arg8[%swap3A_432, %swap3A_433], %swap3A_436 {add = true, strides = array<i32>} : memref<128x64xf32, #tpu.memory_space<vmem>>, vector<1x16xf32>,
        %scan3A_437 = arith.constant 1 : i32
        %scan3A_438 = arith.addi %scan3A_394, %scan3A_437 : i32
        %add3A_439 = arith.constant 0 : i32
        %add3A_440 = arith.addi %add3A_439, %scan3A_438 : i32
        %get3A_441 = arith.index_cast %add3A_440 : i32 to index
        %get3A_442 = arith.constant 0 : index
        %get3A_443 = tpu.vector_load %arg7[%get3A_441, %get3A_442] {strides = array<i32>} : memref<200x64xf32, #tpu.memory_space<vmem>>, vector<1x16xf32>,
        %get3A_444 = vector.shape_cast %get3A_443 : vector<1x16xf32> to vector<16xf32>
        %swap3A_445 = arith.index_cast %scan3A_438 : i32 to index
        %swap3A_446 = arith.constant 0 : index
        %swap3A_447 = tpu.vector_load %arg8[%swap3A_445, %swap3A_446] {strides = array<i32>} : memref<128x64xf32, #tpu.memory_space<vmem>>, vector<1x16xf32>,
        %swap3A_448 = vector.shape_cast %swap3A_447 : vector<1x16xf32> to vector<16xf32>
        %swap3A_449 = vector.shape_cast %get3A_444 : vector<16xf32> to vector<1x16xf32>
        tpu.vector_store %arg8[%swap3A_445, %swap3A_446], %swap3A_449 {add = true, strides = array<i32>} : memref<128x64xf32, #tpu.memory_space<vmem>>, vector<1x16xf32>,
        %add3A_450 = arith.constant 0 : i32
        %add3A_451 = arith.addi %add3A_450, %scan3A_438 : i32
        %get3A_452 = arith.index_cast %add3A_451 : i32 to index
        %get3A_453 = arith.constant 16 : index
        %get3A_454 = tpu.vector_load %arg7[%get3A_452, %get3A_453] {strides = array<i32>} : memref<200x64xf32, #tpu.memory_space<vmem>>, vector<1x16xf32>,
        %get3A_455 = vector.shape_cast %get3A_454 : vector<1x16xf32> to vector<16xf32>
        %swap3A_456 = arith.index_cast %scan3A_438 : i32 to index
        %swap3A_457 = arith.constant 16 : index
        %swap3A_458 = tpu.vector_load %arg8[%swap3A_456, %swap3A_457] {strides = array<i32>} : memref<128x64xf32, #tpu.memory_space<vmem>>, vector<1x16xf32>,
        %swap3A_459 = vector.shape_cast %swap3A_458 : vector<1x16xf32> to vector<16xf32>
        %swap3A_460 = vector.shape_cast %get3A_455 : vector<16xf32> to vector<1x16xf32>
        tpu.vector_store %arg8[%swap3A_456, %swap3A_457], %swap3A_460 {add = true, strides = array<i32>} : memref<128x64xf32, #tpu.memory_space<vmem>>, vector<1x16xf32>,
        %add3A_461 = arith.constant 0 : i32
        %add3A_462 = arith.addi %add3A_461, %scan3A_438 : i32
        %get3A_463 = arith.index_cast %add3A_462 : i32 to index
        %get3A_464 = arith.constant 32 : index
        %get3A_465 = tpu.vector_load %arg7[%get3A_463, %get3A_464] {strides = array<i32>} : memref<200x64xf32, #tpu.memory_space<vmem>>, vector<1x16xf32>,
        %get3A_466 = vector.shape_cast %get3A_465 : vector<1x16xf32> to vector<16xf32>
        %swap3A_467 = arith.index_cast %scan3A_438 : i32 to index
        %swap3A_468 = arith.constant 32 : index
        %swap3A_469 = tpu.vector_load %arg8[%swap3A_467, %swap3A_468] {strides = array<i32>} : memref<128x64xf32, #tpu.memory_space<vmem>>, vector<1x16xf32>,
        %swap3A_470 = vector.shape_cast %swap3A_469 : vector<1x16xf32> to vector<16xf32>
        %swap3A_471 = vector.shape_cast %get3A_466 : vector<16xf32> to vector<1x16xf32>
        tpu.vector_store %arg8[%swap3A_467, %swap3A_468], %swap3A_471 {add = true, strides = array<i32>} : memref<128x64xf32, #tpu.memory_space<vmem>>, vector<1x16xf32>,
        %add3A_472 = arith.constant 0 : i32
        %add3A_473 = arith.addi %add3A_472, %scan3A_438 : i32
        %get3A_474 = arith.index_cast %add3A_473 : i32 to index
        %get3A_475 = arith.constant 48 : index
        %get3A_476 = tpu.vector_load %arg7[%get3A_474, %get3A_475] {strides = array<i32>} : memref<200x64xf32, #tpu.memory_space<vmem>>, vector<1x16xf32>,
        %get3A_477 = vector.shape_cast %get3A_476 : vector<1x16xf32> to vector<16xf32>
        %swap3A_478 = arith.index_cast %scan3A_438 : i32 to index
        %swap3A_479 = arith.constant 48 : index
        %swap3A_480 = tpu.vector_load %arg8[%swap3A_478, %swap3A_479] {strides = array<i32>} : memref<128x64xf32, #tpu.memory_space<vmem>>, vector<1x16xf32>,
        %swap3A_481 = vector.shape_cast %swap3A_480 : vector<1x16xf32> to vector<16xf32>
        %swap3A_482 = vector.shape_cast %get3A_477 : vector<16xf32> to vector<1x16xf32>
        tpu.vector_store %arg8[%swap3A_478, %swap3A_479], %swap3A_482 {add = true, strides = array<i32>} : memref<128x64xf32, #tpu.memory_space<vmem>>, vector<1x16xf32>,
        %scan3A_483 = arith.constant 2 : i32
        %scan3A_484 = arith.addi %scan3A_394, %scan3A_483 : i32
        %add3A_485 = arith.constant 0 : i32
        %add3A_486 = arith.addi %add3A_485, %scan3A_484 : i32
        %get3A_487 = arith.index_cast %add3A_486 : i32 to index
        %get3A_488 = arith.constant 0 : index
        %get3A_489 = tpu.vector_load %arg7[%get3A_487, %get3A_488] {strides = array<i32>} : memref<200x64xf32, #tpu.memory_space<vmem>>, vector<1x16xf32>,
        %get3A_490 = vector.shape_cast %get3A_489 : vector<1x16xf32> to vector<16xf32>
        %swap3A_491 = arith.index_cast %scan3A_484 : i32 to index
        %swap3A_492 = arith.constant 0 : index
        %swap3A_493 = tpu.vector_load %arg8[%swap3A_491, %swap3A_492] {strides = array<i32>} : memref<128x64xf32, #tpu.memory_space<vmem>>, vector<1x16xf32>,
        %swap3A_494 = vector.shape_cast %swap3A_493 : vector<1x16xf32> to vector<16xf32>
        %swap3A_495 = vector.shape_cast %get3A_490 : vector<16xf32> to vector<1x16xf32>
        tpu.vector_store %arg8[%swap3A_491, %swap3A_492], %swap3A_495 {add = true, strides = array<i32>} : memref<128x64xf32, #tpu.memory_space<vmem>>, vector<1x16xf32>,
        %add3A_496 = arith.constant 0 : i32
        %add3A_497 = arith.addi %add3A_496, %scan3A_484 : i32
        %get3A_498 = arith.index_cast %add3A_497 : i32 to index
        %get3A_499 = arith.constant 16 : index
        %get3A_500 = tpu.vector_load %arg7[%get3A_498, %get3A_499] {strides = array<i32>} : memref<200x64xf32, #tpu.memory_space<vmem>>, vector<1x16xf32>,
        %get3A_501 = vector.shape_cast %get3A_500 : vector<1x16xf32> to vector<16xf32>
        %swap3A_502 = arith.index_cast %scan3A_484 : i32 to index
        %swap3A_503 = arith.constant 16 : index
        %swap3A_504 = tpu.vector_load %arg8[%swap3A_502, %swap3A_503] {strides = array<i32>} : memref<128x64xf32, #tpu.memory_space<vmem>>, vector<1x16xf32>,
        %swap3A_505 = vector.shape_cast %swap3A_504 : vector<1x16xf32> to vector<16xf32>
        %swap3A_506 = vector.shape_cast %get3A_501 : vector<16xf32> to vector<1x16xf32>
        tpu.vector_store %arg8[%swap3A_502, %swap3A_503], %swap3A_506 {add = true, strides = array<i32>} : memref<128x64xf32, #tpu.memory_space<vmem>>, vector<1x16xf32>,
        %add3A_507 = arith.constant 0 : i32
        %add3A_508 = arith.addi %add3A_507, %scan3A_484 : i32
        %get3A_509 = arith.index_cast %add3A_508 : i32 to index
        %get3A_510 = arith.constant 32 : index
        %get3A_511 = tpu.vector_load %arg7[%get3A_509, %get3A_510] {strides = array<i32>} : memref<200x64xf32, #tpu.memory_space<vmem>>, vector<1x16xf32>,
        %get3A_512 = vector.shape_cast %get3A_511 : vector<1x16xf32> to vector<16xf32>
        %swap3A_513 = arith.index_cast %scan3A_484 : i32 to index
        %swap3A_514 = arith.constant 32 : index
        %swap3A_515 = tpu.vector_load %arg8[%swap3A_513, %swap3A_514] {strides = array<i32>} : memref<128x64xf32, #tpu.memory_space<vmem>>, vector<1x16xf32>,
        %swap3A_516 = vector.shape_cast %swap3A_515 : vector<1x16xf32> to vector<16xf32>
        %swap3A_517 = vector.shape_cast %get3A_512 : vector<16xf32> to vector<1x16xf32>
        tpu.vector_store %arg8[%swap3A_513, %swap3A_514], %swap3A_517 {add = true, strides = array<i32>} : memref<128x64xf32, #tpu.memory_space<vmem>>, vector<1x16xf32>,
        %add3A_518 = arith.constant 0 : i32
        %add3A_519 = arith.addi %add3A_518, %scan3A_484 : i32
        %get3A_520 = arith.index_cast %add3A_519 : i32 to index
        %get3A_521 = arith.constant 48 : index
        %get3A_522 = tpu.vector_load %arg7[%get3A_520, %get3A_521] {strides = array<i32>} : memref<200x64xf32, #tpu.memory_space<vmem>>, vector<1x16xf32>,
        %get3A_523 = vector.shape_cast %get3A_522 : vector<1x16xf32> to vector<16xf32>
        %swap3A_524 = arith.index_cast %scan3A_484 : i32 to index
        %swap3A_525 = arith.constant 48 : index
        %swap3A_526 = tpu.vector_load %arg8[%swap3A_524, %swap3A_525] {strides = array<i32>} : memref<128x64xf32, #tpu.memory_space<vmem>>, vector<1x16xf32>,
        %swap3A_527 = vector.shape_cast %swap3A_526 : vector<1x16xf32> to vector<16xf32>
        %swap3A_528 = vector.shape_cast %get3A_523 : vector<16xf32> to vector<1x16xf32>
        tpu.vector_store %arg8[%swap3A_524, %swap3A_525], %swap3A_528 {add = true, strides = array<i32>} : memref<128x64xf32, #tpu.memory_space<vmem>>, vector<1x16xf32>,
        %scan3A_529 = arith.constant 3 : i32
        %scan3A_530 = arith.addi %scan3A_394, %scan3A_529 : i32
        %add3A_531 = arith.constant 0 : i32
        %add3A_532 = arith.addi %add3A_531, %scan3A_530 : i32
        %get3A_533 = arith.index_cast %add3A_532 : i32 to index
        %get3A_534 = arith.constant 0 : index
        %get3A_535 = tpu.vector_load %arg7[%get3A_533, %get3A_534] {strides = array<i32>} : memref<200x64xf32, #tpu.memory_space<vmem>>, vector<1x16xf32>,
        %get3A_536 = vector.shape_cast %get3A_535 : vector<1x16xf32> to vector<16xf32>
        %swap3A_537 = arith.index_cast %scan3A_530 : i32 to index
        %swap3A_538 = arith.constant 0 : index
        %swap3A_539 = tpu.vector_load %arg8[%swap3A_537, %swap3A_538] {strides = array<i32>} : memref<128x64xf32, #tpu.memory_space<vmem>>, vector<1x16xf32>,
        %swap3A_540 = vector.shape_cast %swap3A_539 : vector<1x16xf32> to vector<16xf32>
        %swap3A_541 = vector.shape_cast %get3A_536 : vector<16xf32> to vector<1x16xf32>
        tpu.vector_store %arg8[%swap3A_537, %swap3A_538], %swap3A_541 {add = true, strides = array<i32>} : memref<128x64xf32, #tpu.memory_space<vmem>>, vector<1x16xf32>,
        %add3A_542 = arith.constant 0 : i32
        %add3A_543 = arith.addi %add3A_542, %scan3A_530 : i32
        %get3A_544 = arith.index_cast %add3A_543 : i32 to index
        %get3A_545 = arith.constant 16 : index
        %get3A_546 = tpu.vector_load %arg7[%get3A_544, %get3A_545] {strides = array<i32>} : memref<200x64xf32, #tpu.memory_space<vmem>>, vector<1x16xf32>,
        %get3A_547 = vector.shape_cast %get3A_546 : vector<1x16xf32> to vector<16xf32>
        %swap3A_548 = arith.index_cast %scan3A_530 : i32 to index
        %swap3A_549 = arith.constant 16 : index
        %swap3A_550 = tpu.vector_load %arg8[%swap3A_548, %swap3A_549] {strides = array<i32>} : memref<128x64xf32, #tpu.memory_space<vmem>>, vector<1x16xf32>,
        %swap3A_551 = vector.shape_cast %swap3A_550 : vector<1x16xf32> to vector<16xf32>
        %swap3A_552 = vector.shape_cast %get3A_547 : vector<16xf32> to vector<1x16xf32>
        tpu.vector_store %arg8[%swap3A_548, %swap3A_549], %swap3A_552 {add = true, strides = array<i32>} : memref<128x64xf32, #tpu.memory_space<vmem>>, vector<1x16xf32>,
        %add3A_553 = arith.constant 0 : i32
        %add3A_554 = arith.addi %add3A_553, %scan3A_530 : i32
        %get3A_555 = arith.index_cast %add3A_554 : i32 to index
        %get3A_556 = arith.constant 32 : index
        %get3A_557 = tpu.vector_load %arg7[%get3A_555, %get3A_556] {strides = array<i32>} : memref<200x64xf32, #tpu.memory_space<vmem>>, vector<1x16xf32>,
        %get3A_558 = vector.shape_cast %get3A_557 : vector<1x16xf32> to vector<16xf32>
        %swap3A_559 = arith.index_cast %scan3A_530 : i32 to index
        %swap3A_560 = arith.constant 32 : index
        %swap3A_561 = tpu.vector_load %arg8[%swap3A_559, %swap3A_560] {strides = array<i32>} : memref<128x64xf32, #tpu.memory_space<vmem>>, vector<1x16xf32>,
        %swap3A_562 = vector.shape_cast %swap3A_561 : vector<1x16xf32> to vector<16xf32>
        %swap3A_563 = vector.shape_cast %get3A_558 : vector<16xf32> to vector<1x16xf32>
        tpu.vector_store %arg8[%swap3A_559, %swap3A_560], %swap3A_563 {add = true, strides = array<i32>} : memref<128x64xf32, #tpu.memory_space<vmem>>, vector<1x16xf32>,
        %add3A_564 = arith.constant 0 : i32
        %add3A_565 = arith.addi %add3A_564, %scan3A_530 : i32
        %get3A_566 = arith.index_cast %add3A_565 : i32 to index
        %get3A_567 = arith.constant 48 : index
        %get3A_568 = tpu.vector_load %arg7[%get3A_566, %get3A_567] {strides = array<i32>} : memref<200x64xf32, #tpu.memory_space<vmem>>, vector<1x16xf32>,
        %get3A_569 = vector.shape_cast %get3A_568 : vector<1x16xf32> to vector<16xf32>
        %swap3A_570 = arith.index_cast %scan3A_530 : i32 to index
        %swap3A_571 = arith.constant 48 : index
        %swap3A_572 = tpu.vector_load %arg8[%swap3A_570, %swap3A_571] {strides = array<i32>} : memref<128x64xf32, #tpu.memory_space<vmem>>, vector<1x16xf32>,
        %swap3A_573 = vector.shape_cast %swap3A_572 : vector<1x16xf32> to vector<16xf32>
        %swap3A_574 = vector.shape_cast %get3A_569 : vector<16xf32> to vector<1x16xf32>
        tpu.vector_store %arg8[%swap3A_570, %swap3A_571], %swap3A_574 {add = true, strides = array<i32>} : memref<128x64xf32, #tpu.memory_space<vmem>>, vector<1x16xf32>,
      }
      %scan3A_106 = arith.constant 128 : i32
      %add3A_107 = arith.addi %mul3A_2, %select_n3A : i32
      %dma_start3A_108 = arith.constant 0 : i32
      %dma_start3A_109 = arith.constant 0 : i32
      %dma_start3A_110 = tpu.memref_slice %arg5[%add3A_107, %dma_start3A_108, %dma_start3A_109] : memref<1024x200x64xf32, #tpu.memory_space<hbm>> -> memref<1x128x64xf32, #tpu.memory_space<hbm>>
      %dma_start3A_111 = tpu.memref_squeeze %dma_start3A_110 : memref<1x128x64xf32, #tpu.memory_space<hbm>> -> memref<128x64xf32, #tpu.memory_space<hbm>>
      %dma_start3A_112 = arith.constant 0 : i32
      %dma_start3A_113 = arith.constant 0 : i32
      %dma_start3A_114 = tpu.memref_slice %arg5[%add3A_107, %dma_start3A_112, %dma_start3A_113] : memref<1024x200x64xf32, #tpu.memory_space<hbm>> -> memref<1x128x64xf32, #tpu.memory_space<hbm>>
      %dma_start3A_115 = tpu.memref_squeeze %dma_start3A_114 : memref<1x128x64xf32, #tpu.memory_space<hbm>> -> memref<128x64xf32, #tpu.memory_space<hbm>>
      tpu.enqueue_dma source(%arg8 : memref<128x64xf32, #tpu.memory_space<vmem>>) target(%dma_start3A_115 : memref<128x64xf32, #tpu.memory_space<hbm>>) target_semaphore(%arg16 : memref<!tpu.dma_semaphore, #tpu.memory_space<semaphore_mem>>)
      %add3A_116 = arith.constant 1 : i32
      %add3A_117 = arith.addi %mul3A_76, %add3A_116 : i32
      %jit3A_118 = arith.constant 2 : i32
      %div3A_119 = arith.divsi %add3A_117, %jit3A_118 : i32
      %sign3A_120 = arith.constant 0 : i32
      %sign3A_121 = arith.cmpi sgt, %add3A_117, %sign3A_120 : i32
      %sign3A_122 = arith.extui %sign3A_121 : i1 to i32
      %sign3A_123 = arith.constant 0 : i32
      %sign3A_124 = arith.cmpi slt, %add3A_117, %sign3A_123 : i32
      %sign3A_125 = arith.extui %sign3A_124 : i1 to i32
      %sign3A_126 = arith.subi %sign3A_122, %sign3A_125 : i32
      %sign3A_127 = arith.constant 0 : i32
      %sign3A_128 = arith.cmpi sgt, %jit3A_118, %sign3A_127 : i32
      %sign3A_129 = arith.extui %sign3A_128 : i1 to i32
      %sign3A_130 = arith.constant 0 : i32
      %sign3A_131 = arith.cmpi slt, %jit3A_118, %sign3A_130 : i32
      %sign3A_132 = arith.extui %sign3A_131 : i1 to i32
      %sign3A_133 = arith.subi %sign3A_129, %sign3A_132 : i32
      %ne3A_134 = arith.cmpi ne, %sign3A_126, %sign3A_133 : i32
      %rem3A_135 = arith.remsi %add3A_117, %jit3A_118 : i32
      %ne3A_136 = arith.constant 0 : i32
      %ne3A_137 = arith.cmpi ne, %rem3A_135, %ne3A_136 : i32
      %and3A_138 = arith.andi %ne3A_134, %ne3A_137 : i1
      %sub3A_139 = arith.constant 1 : i32
      %sub3A_140 = arith.subi %div3A_119, %sub3A_139 : i32
      %select_n3A_141 = arith.select %and3A_138, %sub3A_140, %div3A_119 : i32
      %dma_wait3A_142 = arith.constant 0 : i32
      %dma_wait3A_143 = arith.constant 0 : i32
      %dma_wait3A_144 = tpu.memref_slice %arg3[%dma_wait3A_142, %dma_wait3A_143] : memref<1000000x64xf32, #tpu.memory_space<hbm>> -> memref<72x64xf32, #tpu.memory_space<hbm>>
      %dma_wait3A_145 = arith.constant 0 : i32
      %dma_wait3A_146 = arith.constant 0 : i32
      %dma_wait3A_147 = tpu.memref_slice %arg3[%dma_wait3A_145, %dma_wait3A_146] : memref<1000000x64xf32, #tpu.memory_space<hbm>> -> memref<72x64xf32, #tpu.memory_space<hbm>>
      tpu.wait_dma2 semaphore(%arg13 : memref<!tpu.dma_semaphore, #tpu.memory_space<semaphore_mem>>) src(%dma_wait3A_147 : memref<72x64xf32, #tpu.memory_space<hbm>>) dst(%arg9 : memref<72x64xf32, #tpu.memory_space<vmem>>)
      %scan3A_148 = arith.constant 0 : i32
      %scan3A_149 = arith.constant 0 : i32
      %scan3A_150 = arith.constant 72 : i32
      %scan3A_151 = arith.addi %scan3A_149, %scan3A_150 : i32
      %scan3A_152 = arith.constant 4 : i32
      scf.for %scan3A_394 = %scan3A_149 to %scan3A_151 step %scan3A_152  : i32 {
        %add3A_395 = arith.constant 128 : i32
        %add3A_396 = arith.addi %add3A_395, %scan3A_394 : i32
        %get3A = arith.index_cast %add3A_396 : i32 to index
        %get3A_397 = arith.constant 0 : index
        %get3A_398 = tpu.vector_load %arg7[%get3A, %get3A_397] {strides = array<i32>} : memref<200x64xf32, #tpu.memory_space<vmem>>, vector<1x16xf32>,
        %get3A_399 = vector.shape_cast %get3A_398 : vector<1x16xf32> to vector<16xf32>
        %swap3A = arith.index_cast %scan3A_394 : i32 to index
        %swap3A_400 = arith.constant 0 : index
        %swap3A_401 = tpu.vector_load %arg9[%swap3A, %swap3A_400] {strides = array<i32>} : memref<72x64xf32, #tpu.memory_space<vmem>>, vector<1x16xf32>,
        %swap3A_402 = vector.shape_cast %swap3A_401 : vector<1x16xf32> to vector<16xf32>
        %swap3A_403 = vector.shape_cast %get3A_399 : vector<16xf32> to vector<1x16xf32>
        tpu.vector_store %arg9[%swap3A, %swap3A_400], %swap3A_403 {add = true, strides = array<i32>} : memref<72x64xf32, #tpu.memory_space<vmem>>, vector<1x16xf32>,
        %add3A_404 = arith.constant 128 : i32
        %add3A_405 = arith.addi %add3A_404, %scan3A_394 : i32
        %get3A_406 = arith.index_cast %add3A_405 : i32 to index
        %get3A_407 = arith.constant 16 : index
        %get3A_408 = tpu.vector_load %arg7[%get3A_406, %get3A_407] {strides = array<i32>} : memref<200x64xf32, #tpu.memory_space<vmem>>, vector<1x16xf32>,
        %get3A_409 = vector.shape_cast %get3A_408 : vector<1x16xf32> to vector<16xf32>
        %swap3A_410 = arith.index_cast %scan3A_394 : i32 to index
        %swap3A_411 = arith.constant 16 : index
        %swap3A_412 = tpu.vector_load %arg9[%swap3A_410, %swap3A_411] {strides = array<i32>} : memref<72x64xf32, #tpu.memory_space<vmem>>, vector<1x16xf32>,
        %swap3A_413 = vector.shape_cast %swap3A_412 : vector<1x16xf32> to vector<16xf32>
        %swap3A_414 = vector.shape_cast %get3A_409 : vector<16xf32> to vector<1x16xf32>
        tpu.vector_store %arg9[%swap3A_410, %swap3A_411], %swap3A_414 {add = true, strides = array<i32>} : memref<72x64xf32, #tpu.memory_space<vmem>>, vector<1x16xf32>,
        %add3A_415 = arith.constant 128 : i32
        %add3A_416 = arith.addi %add3A_415, %scan3A_394 : i32
        %get3A_417 = arith.index_cast %add3A_416 : i32 to index
        %get3A_418 = arith.constant 32 : index
        %get3A_419 = tpu.vector_load %arg7[%get3A_417, %get3A_418] {strides = array<i32>} : memref<200x64xf32, #tpu.memory_space<vmem>>, vector<1x16xf32>,
        %get3A_420 = vector.shape_cast %get3A_419 : vector<1x16xf32> to vector<16xf32>
        %swap3A_421 = arith.index_cast %scan3A_394 : i32 to index
        %swap3A_422 = arith.constant 32 : index
        %swap3A_423 = tpu.vector_load %arg9[%swap3A_421, %swap3A_422] {strides = array<i32>} : memref<72x64xf32, #tpu.memory_space<vmem>>, vector<1x16xf32>,
        %swap3A_424 = vector.shape_cast %swap3A_423 : vector<1x16xf32> to vector<16xf32>
        %swap3A_425 = vector.shape_cast %get3A_420 : vector<16xf32> to vector<1x16xf32>
        tpu.vector_store %arg9[%swap3A_421, %swap3A_422], %swap3A_425 {add = true, strides = array<i32>} : memref<72x64xf32, #tpu.memory_space<vmem>>, vector<1x16xf32>,
        %add3A_426 = arith.constant 128 : i32
        %add3A_427 = arith.addi %add3A_426, %scan3A_394 : i32
        %get3A_428 = arith.index_cast %add3A_427 : i32 to index
        %get3A_429 = arith.constant 48 : index
        %get3A_430 = tpu.vector_load %arg7[%get3A_428, %get3A_429] {strides = array<i32>} : memref<200x64xf32, #tpu.memory_space<vmem>>, vector<1x16xf32>,
        %get3A_431 = vector.shape_cast %get3A_430 : vector<1x16xf32> to vector<16xf32>
        %swap3A_432 = arith.index_cast %scan3A_394 : i32 to index
        %swap3A_433 = arith.constant 48 : index
        %swap3A_434 = tpu.vector_load %arg9[%swap3A_432, %swap3A_433] {strides = array<i32>} : memref<72x64xf32, #tpu.memory_space<vmem>>, vector<1x16xf32>,
        %swap3A_435 = vector.shape_cast %swap3A_434 : vector<1x16xf32> to vector<16xf32>
        %swap3A_436 = vector.shape_cast %get3A_431 : vector<16xf32> to vector<1x16xf32>
        tpu.vector_store %arg9[%swap3A_432, %swap3A_433], %swap3A_436 {add = true, strides = array<i32>} : memref<72x64xf32, #tpu.memory_space<vmem>>, vector<1x16xf32>,
        %scan3A_437 = arith.constant 1 : i32
        %scan3A_438 = arith.addi %scan3A_394, %scan3A_437 : i32
        %add3A_439 = arith.constant 128 : i32
        %add3A_440 = arith.addi %add3A_439, %scan3A_438 : i32
        %get3A_441 = arith.index_cast %add3A_440 : i32 to index
        %get3A_442 = arith.constant 0 : index
        %get3A_443 = tpu.vector_load %arg7[%get3A_441, %get3A_442] {strides = array<i32>} : memref<200x64xf32, #tpu.memory_space<vmem>>, vector<1x16xf32>,
        %get3A_444 = vector.shape_cast %get3A_443 : vector<1x16xf32> to vector<16xf32>
        %swap3A_445 = arith.index_cast %scan3A_438 : i32 to index
        %swap3A_446 = arith.constant 0 : index
        %swap3A_447 = tpu.vector_load %arg9[%swap3A_445, %swap3A_446] {strides = array<i32>} : memref<72x64xf32, #tpu.memory_space<vmem>>, vector<1x16xf32>,
        %swap3A_448 = vector.shape_cast %swap3A_447 : vector<1x16xf32> to vector<16xf32>
        %swap3A_449 = vector.shape_cast %get3A_444 : vector<16xf32> to vector<1x16xf32>
        tpu.vector_store %arg9[%swap3A_445, %swap3A_446], %swap3A_449 {add = true, strides = array<i32>} : memref<72x64xf32, #tpu.memory_space<vmem>>, vector<1x16xf32>,
        %add3A_450 = arith.constant 128 : i32
        %add3A_451 = arith.addi %add3A_450, %scan3A_438 : i32
        %get3A_452 = arith.index_cast %add3A_451 : i32 to index
        %get3A_453 = arith.constant 16 : index
        %get3A_454 = tpu.vector_load %arg7[%get3A_452, %get3A_453] {strides = array<i32>} : memref<200x64xf32, #tpu.memory_space<vmem>>, vector<1x16xf32>,
        %get3A_455 = vector.shape_cast %get3A_454 : vector<1x16xf32> to vector<16xf32>
        %swap3A_456 = arith.index_cast %scan3A_438 : i32 to index
        %swap3A_457 = arith.constant 16 : index
        %swap3A_458 = tpu.vector_load %arg9[%swap3A_456, %swap3A_457] {strides = array<i32>} : memref<72x64xf32, #tpu.memory_space<vmem>>, vector<1x16xf32>,
        %swap3A_459 = vector.shape_cast %swap3A_458 : vector<1x16xf32> to vector<16xf32>
        %swap3A_460 = vector.shape_cast %get3A_455 : vector<16xf32> to vector<1x16xf32>
        tpu.vector_store %arg9[%swap3A_456, %swap3A_457], %swap3A_460 {add = true, strides = array<i32>} : memref<72x64xf32, #tpu.memory_space<vmem>>, vector<1x16xf32>,
        %add3A_461 = arith.constant 128 : i32
        %add3A_462 = arith.addi %add3A_461, %scan3A_438 : i32
        %get3A_463 = arith.index_cast %add3A_462 : i32 to index
        %get3A_464 = arith.constant 32 : index
        %get3A_465 = tpu.vector_load %arg7[%get3A_463, %get3A_464] {strides = array<i32>} : memref<200x64xf32, #tpu.memory_space<vmem>>, vector<1x16xf32>,
        %get3A_466 = vector.shape_cast %get3A_465 : vector<1x16xf32> to vector<16xf32>
        %swap3A_467 = arith.index_cast %scan3A_438 : i32 to index
        %swap3A_468 = arith.constant 32 : index
        %swap3A_469 = tpu.vector_load %arg9[%swap3A_467, %swap3A_468] {strides = array<i32>} : memref<72x64xf32, #tpu.memory_space<vmem>>, vector<1x16xf32>,
        %swap3A_470 = vector.shape_cast %swap3A_469 : vector<1x16xf32> to vector<16xf32>
        %swap3A_471 = vector.shape_cast %get3A_466 : vector<16xf32> to vector<1x16xf32>
        tpu.vector_store %arg9[%swap3A_467, %swap3A_468], %swap3A_471 {add = true, strides = array<i32>} : memref<72x64xf32, #tpu.memory_space<vmem>>, vector<1x16xf32>,
        %add3A_472 = arith.constant 128 : i32
        %add3A_473 = arith.addi %add3A_472, %scan3A_438 : i32
        %get3A_474 = arith.index_cast %add3A_473 : i32 to index
        %get3A_475 = arith.constant 48 : index
        %get3A_476 = tpu.vector_load %arg7[%get3A_474, %get3A_475] {strides = array<i32>} : memref<200x64xf32, #tpu.memory_space<vmem>>, vector<1x16xf32>,
        %get3A_477 = vector.shape_cast %get3A_476 : vector<1x16xf32> to vector<16xf32>
        %swap3A_478 = arith.index_cast %scan3A_438 : i32 to index
        %swap3A_479 = arith.constant 48 : index
        %swap3A_480 = tpu.vector_load %arg9[%swap3A_478, %swap3A_479] {strides = array<i32>} : memref<72x64xf32, #tpu.memory_space<vmem>>, vector<1x16xf32>,
        %swap3A_481 = vector.shape_cast %swap3A_480 : vector<1x16xf32> to vector<16xf32>
        %swap3A_482 = vector.shape_cast %get3A_477 : vector<16xf32> to vector<1x16xf32>
        tpu.vector_store %arg9[%swap3A_478, %swap3A_479], %swap3A_482 {add = true, strides = array<i32>} : memref<72x64xf32, #tpu.memory_space<vmem>>, vector<1x16xf32>,
        %scan3A_483 = arith.constant 2 : i32
        %scan3A_484 = arith.addi %scan3A_394, %scan3A_483 : i32
        %add3A_485 = arith.constant 128 : i32
        %add3A_486 = arith.addi %add3A_485, %scan3A_484 : i32
        %get3A_487 = arith.index_cast %add3A_486 : i32 to index
        %get3A_488 = arith.constant 0 : index
        %get3A_489 = tpu.vector_load %arg7[%get3A_487, %get3A_488] {strides = array<i32>} : memref<200x64xf32, #tpu.memory_space<vmem>>, vector<1x16xf32>,
        %get3A_490 = vector.shape_cast %get3A_489 : vector<1x16xf32> to vector<16xf32>
        %swap3A_491 = arith.index_cast %scan3A_484 : i32 to index
        %swap3A_492 = arith.constant 0 : index
        %swap3A_493 = tpu.vector_load %arg9[%swap3A_491, %swap3A_492] {strides = array<i32>} : memref<72x64xf32, #tpu.memory_space<vmem>>, vector<1x16xf32>,
        %swap3A_494 = vector.shape_cast %swap3A_493 : vector<1x16xf32> to vector<16xf32>
        %swap3A_495 = vector.shape_cast %get3A_490 : vector<16xf32> to vector<1x16xf32>
        tpu.vector_store %arg9[%swap3A_491, %swap3A_492], %swap3A_495 {add = true, strides = array<i32>} : memref<72x64xf32, #tpu.memory_space<vmem>>, vector<1x16xf32>,
        %add3A_496 = arith.constant 128 : i32
        %add3A_497 = arith.addi %add3A_496, %scan3A_484 : i32
        %get3A_498 = arith.index_cast %add3A_497 : i32 to index
        %get3A_499 = arith.constant 16 : index
        %get3A_500 = tpu.vector_load %arg7[%get3A_498, %get3A_499] {strides = array<i32>} : memref<200x64xf32, #tpu.memory_space<vmem>>, vector<1x16xf32>,
        %get3A_501 = vector.shape_cast %get3A_500 : vector<1x16xf32> to vector<16xf32>
        %swap3A_502 = arith.index_cast %scan3A_484 : i32 to index
        %swap3A_503 = arith.constant 16 : index
        %swap3A_504 = tpu.vector_load %arg9[%swap3A_502, %swap3A_503] {strides = array<i32>} : memref<72x64xf32, #tpu.memory_space<vmem>>, vector<1x16xf32>,
        %swap3A_505 = vector.shape_cast %swap3A_504 : vector<1x16xf32> to vector<16xf32>
        %swap3A_506 = vector.shape_cast %get3A_501 : vector<16xf32> to vector<1x16xf32>
        tpu.vector_store %arg9[%swap3A_502, %swap3A_503], %swap3A_506 {add = true, strides = array<i32>} : memref<72x64xf32, #tpu.memory_space<vmem>>, vector<1x16xf32>,
        %add3A_507 = arith.constant 128 : i32
        %add3A_508 = arith.addi %add3A_507, %scan3A_484 : i32
        %get3A_509 = arith.index_cast %add3A_508 : i32 to index
        %get3A_510 = arith.constant 32 : index
        %get3A_511 = tpu.vector_load %arg7[%get3A_509, %get3A_510] {strides = array<i32>} : memref<200x64xf32, #tpu.memory_space<vmem>>, vector<1x16xf32>,
        %get3A_512 = vector.shape_cast %get3A_511 : vector<1x16xf32> to vector<16xf32>
        %swap3A_513 = arith.index_cast %scan3A_484 : i32 to index
        %swap3A_514 = arith.constant 32 : index
        %swap3A_515 = tpu.vector_load %arg9[%swap3A_513, %swap3A_514] {strides = array<i32>} : memref<72x64xf32, #tpu.memory_space<vmem>>, vector<1x16xf32>,
        %swap3A_516 = vector.shape_cast %swap3A_515 : vector<1x16xf32> to vector<16xf32>
        %swap3A_517 = vector.shape_cast %get3A_512 : vector<16xf32> to vector<1x16xf32>
        tpu.vector_store %arg9[%swap3A_513, %swap3A_514], %swap3A_517 {add = true, strides = array<i32>} : memref<72x64xf32, #tpu.memory_space<vmem>>, vector<1x16xf32>,
        %add3A_518 = arith.constant 128 : i32
        %add3A_519 = arith.addi %add3A_518, %scan3A_484 : i32
        %get3A_520 = arith.index_cast %add3A_519 : i32 to index
        %get3A_521 = arith.constant 48 : index
        %get3A_522 = tpu.vector_load %arg7[%get3A_520, %get3A_521] {strides = array<i32>} : memref<200x64xf32, #tpu.memory_space<vmem>>, vector<1x16xf32>,
        %get3A_523 = vector.shape_cast %get3A_522 : vector<1x16xf32> to vector<16xf32>
        %swap3A_524 = arith.index_cast %scan3A_484 : i32 to index
        %swap3A_525 = arith.constant 48 : index
        %swap3A_526 = tpu.vector_load %arg9[%swap3A_524, %swap3A_525] {strides = array<i32>} : memref<72x64xf32, #tpu.memory_space<vmem>>, vector<1x16xf32>,
        %swap3A_527 = vector.shape_cast %swap3A_526 : vector<1x16xf32> to vector<16xf32>
        %swap3A_528 = vector.shape_cast %get3A_523 : vector<16xf32> to vector<1x16xf32>
        tpu.vector_store %arg9[%swap3A_524, %swap3A_525], %swap3A_528 {add = true, strides = array<i32>} : memref<72x64xf32, #tpu.memory_space<vmem>>, vector<1x16xf32>,
        %scan3A_529 = arith.constant 3 : i32
        %scan3A_530 = arith.addi %scan3A_394, %scan3A_529 : i32
        %add3A_531 = arith.constant 128 : i32
        %add3A_532 = arith.addi %add3A_531, %scan3A_530 : i32
        %get3A_533 = arith.index_cast %add3A_532 : i32 to index
        %get3A_534 = arith.constant 0 : index
        %get3A_535 = tpu.vector_load %arg7[%get3A_533, %get3A_534] {strides = array<i32>} : memref<200x64xf32, #tpu.memory_space<vmem>>, vector<1x16xf32>,
        %get3A_536 = vector.shape_cast %get3A_535 : vector<1x16xf32> to vector<16xf32>
        %swap3A_537 = arith.index_cast %scan3A_530 : i32 to index
        %swap3A_538 = arith.constant 0 : index
        %swap3A_539 = tpu.vector_load %arg9[%swap3A_537, %swap3A_538] {strides = array<i32>} : memref<72x64xf32, #tpu.memory_space<vmem>>, vector<1x16xf32>,
        %swap3A_540 = vector.shape_cast %swap3A_539 : vector<1x16xf32> to vector<16xf32>
        %swap3A_541 = vector.shape_cast %get3A_536 : vector<16xf32> to vector<1x16xf32>
        tpu.vector_store %arg9[%swap3A_537, %swap3A_538], %swap3A_541 {add = true, strides = array<i32>} : memref<72x64xf32, #tpu.memory_space<vmem>>, vector<1x16xf32>,
        %add3A_542 = arith.constant 128 : i32
        %add3A_543 = arith.addi %add3A_542, %scan3A_530 : i32
        %get3A_544 = arith.index_cast %add3A_543 : i32 to index
        %get3A_545 = arith.constant 16 : index
        %get3A_546 = tpu.vector_load %arg7[%get3A_544, %get3A_545] {strides = array<i32>} : memref<200x64xf32, #tpu.memory_space<vmem>>, vector<1x16xf32>,
        %get3A_547 = vector.shape_cast %get3A_546 : vector<1x16xf32> to vector<16xf32>
        %swap3A_548 = arith.index_cast %scan3A_530 : i32 to index
        %swap3A_549 = arith.constant 16 : index
        %swap3A_550 = tpu.vector_load %arg9[%swap3A_548, %swap3A_549] {strides = array<i32>} : memref<72x64xf32, #tpu.memory_space<vmem>>, vector<1x16xf32>,
        %swap3A_551 = vector.shape_cast %swap3A_550 : vector<1x16xf32> to vector<16xf32>
        %swap3A_552 = vector.shape_cast %get3A_547 : vector<16xf32> to vector<1x16xf32>
        tpu.vector_store %arg9[%swap3A_548, %swap3A_549], %swap3A_552 {add = true, strides = array<i32>} : memref<72x64xf32, #tpu.memory_space<vmem>>, vector<1x16xf32>,
        %add3A_553 = arith.constant 128 : i32
        %add3A_554 = arith.addi %add3A_553, %scan3A_530 : i32
        %get3A_555 = arith.index_cast %add3A_554 : i32 to index
        %get3A_556 = arith.constant 32 : index
        %get3A_557 = tpu.vector_load %arg7[%get3A_555, %get3A_556] {strides = array<i32>} : memref<200x64xf32, #tpu.memory_space<vmem>>, vector<1x16xf32>,
        %get3A_558 = vector.shape_cast %get3A_557 : vector<1x16xf32> to vector<16xf32>
        %swap3A_559 = arith.index_cast %scan3A_530 : i32 to index
        %swap3A_560 = arith.constant 32 : index
        %swap3A_561 = tpu.vector_load %arg9[%swap3A_559, %swap3A_560] {strides = array<i32>} : memref<72x64xf32, #tpu.memory_space<vmem>>, vector<1x16xf32>,
        %swap3A_562 = vector.shape_cast %swap3A_561 : vector<1x16xf32> to vector<16xf32>
        %swap3A_563 = vector.shape_cast %get3A_558 : vector<16xf32> to vector<1x16xf32>
        tpu.vector_store %arg9[%swap3A_559, %swap3A_560], %swap3A_563 {add = true, strides = array<i32>} : memref<72x64xf32, #tpu.memory_space<vmem>>, vector<1x16xf32>,
        %add3A_564 = arith.constant 128 : i32
        %add3A_565 = arith.addi %add3A_564, %scan3A_530 : i32
        %get3A_566 = arith.index_cast %add3A_565 : i32 to index
        %get3A_567 = arith.constant 48 : index
        %get3A_568 = tpu.vector_load %arg7[%get3A_566, %get3A_567] {strides = array<i32>} : memref<200x64xf32, #tpu.memory_space<vmem>>, vector<1x16xf32>,
        %get3A_569 = vector.shape_cast %get3A_568 : vector<1x16xf32> to vector<16xf32>
        %swap3A_570 = arith.index_cast %scan3A_530 : i32 to index
        %swap3A_571 = arith.constant 48 : index
        %swap3A_572 = tpu.vector_load %arg9[%swap3A_570, %swap3A_571] {strides = array<i32>} : memref<72x64xf32, #tpu.memory_space<vmem>>, vector<1x16xf32>,
        %swap3A_573 = vector.shape_cast %swap3A_572 : vector<1x16xf32> to vector<16xf32>
        %swap3A_574 = vector.shape_cast %get3A_569 : vector<16xf32> to vector<1x16xf32>
        tpu.vector_store %arg9[%swap3A_570, %swap3A_571], %swap3A_574 {add = true, strides = array<i32>} : memref<72x64xf32, #tpu.memory_space<vmem>>, vector<1x16xf32>,
      }
      %scan3A_153 = arith.constant 72 : i32
      %add3A_154 = arith.addi %mul3A_2, %select_n3A_141 : i32
      %dma_start3A_155 = arith.constant 128 : i32
      %dma_start3A_156 = arith.constant 0 : i32
      %dma_start3A_157 = tpu.memref_slice %arg5[%add3A_154, %dma_start3A_155, %dma_start3A_156] : memref<1024x200x64xf32, #tpu.memory_space<hbm>> -> memref<1x72x64xf32, #tpu.memory_space<hbm>>
      %dma_start3A_158 = tpu.memref_squeeze %dma_start3A_157 : memref<1x72x64xf32, #tpu.memory_space<hbm>> -> memref<72x64xf32, #tpu.memory_space<hbm>>
      %dma_start3A_159 = arith.constant 128 : i32
      %dma_start3A_160 = arith.constant 0 : i32
      %dma_start3A_161 = tpu.memref_slice %arg5[%add3A_154, %dma_start3A_159, %dma_start3A_160] : memref<1024x200x64xf32, #tpu.memory_space<hbm>> -> memref<1x72x64xf32, #tpu.memory_space<hbm>>
      %dma_start3A_162 = tpu.memref_squeeze %dma_start3A_161 : memref<1x72x64xf32, #tpu.memory_space<hbm>> -> memref<72x64xf32, #tpu.memory_space<hbm>>
      tpu.enqueue_dma source(%arg9 : memref<72x64xf32, #tpu.memory_space<vmem>>) target(%dma_start3A_162 : memref<72x64xf32, #tpu.memory_space<hbm>>) target_semaphore(%arg17 : memref<!tpu.dma_semaphore, #tpu.memory_space<semaphore_mem>>)
      %add3A_163 = arith.constant 2 : i32
      %add3A_164 = arith.addi %mul3A_76, %add3A_163 : i32
      %jit3A_165 = arith.constant 2 : i32
      %div3A_166 = arith.divsi %add3A_164, %jit3A_165 : i32
      %sign3A_167 = arith.constant 0 : i32
      %sign3A_168 = arith.cmpi sgt, %add3A_164, %sign3A_167 : i32
      %sign3A_169 = arith.extui %sign3A_168 : i1 to i32
      %sign3A_170 = arith.constant 0 : i32
      %sign3A_171 = arith.cmpi slt, %add3A_164, %sign3A_170 : i32
      %sign3A_172 = arith.extui %sign3A_171 : i1 to i32
      %sign3A_173 = arith.subi %sign3A_169, %sign3A_172 : i32
      %sign3A_174 = arith.constant 0 : i32
      %sign3A_175 = arith.cmpi sgt, %jit3A_165, %sign3A_174 : i32
      %sign3A_176 = arith.extui %sign3A_175 : i1 to i32
      %sign3A_177 = arith.constant 0 : i32
      %sign3A_178 = arith.cmpi slt, %jit3A_165, %sign3A_177 : i32
      %sign3A_179 = arith.extui %sign3A_178 : i1 to i32
      %sign3A_180 = arith.subi %sign3A_176, %sign3A_179 : i32
      %ne3A_181 = arith.cmpi ne, %sign3A_173, %sign3A_180 : i32
      %rem3A_182 = arith.remsi %add3A_164, %jit3A_165 : i32
      %ne3A_183 = arith.constant 0 : i32
      %ne3A_184 = arith.cmpi ne, %rem3A_182, %ne3A_183 : i32
      %and3A_185 = arith.andi %ne3A_181, %ne3A_184 : i1
      %sub3A_186 = arith.constant 1 : i32
      %sub3A_187 = arith.subi %div3A_166, %sub3A_186 : i32
      %select_n3A_188 = arith.select %and3A_185, %sub3A_187, %div3A_166 : i32
      %dma_wait3A_189 = arith.constant 0 : i32
      %dma_wait3A_190 = arith.constant 0 : i32
      %dma_wait3A_191 = tpu.memref_slice %arg3[%dma_wait3A_189, %dma_wait3A_190] : memref<1000000x64xf32, #tpu.memory_space<hbm>> -> memref<128x64xf32, #tpu.memory_space<hbm>>
      %dma_wait3A_192 = arith.constant 0 : i32
      %dma_wait3A_193 = arith.constant 0 : i32
      %dma_wait3A_194 = tpu.memref_slice %arg3[%dma_wait3A_192, %dma_wait3A_193] : memref<1000000x64xf32, #tpu.memory_space<hbm>> -> memref<128x64xf32, #tpu.memory_space<hbm>>
      tpu.wait_dma2 semaphore(%arg14 : memref<!tpu.dma_semaphore, #tpu.memory_space<semaphore_mem>>) src(%dma_wait3A_194 : memref<128x64xf32, #tpu.memory_space<hbm>>) dst(%arg10 : memref<128x64xf32, #tpu.memory_space<vmem>>)
      %scan3A_195 = arith.constant 0 : i32
      %scan3A_196 = arith.constant 0 : i32
      %scan3A_197 = arith.constant 128 : i32
      %scan3A_198 = arith.addi %scan3A_196, %scan3A_197 : i32
      %scan3A_199 = arith.constant 4 : i32
      scf.for %scan3A_394 = %scan3A_196 to %scan3A_198 step %scan3A_199  : i32 {
        %add3A_395 = arith.constant 0 : i32
        %add3A_396 = arith.addi %add3A_395, %scan3A_394 : i32
        %get3A = arith.index_cast %add3A_396 : i32 to index
        %get3A_397 = arith.constant 0 : index
        %get3A_398 = tpu.vector_load %arg7[%get3A, %get3A_397] {strides = array<i32>} : memref<200x64xf32, #tpu.memory_space<vmem>>, vector<1x16xf32>,
        %get3A_399 = vector.shape_cast %get3A_398 : vector<1x16xf32> to vector<16xf32>
        %swap3A = arith.index_cast %scan3A_394 : i32 to index
        %swap3A_400 = arith.constant 0 : index
        %swap3A_401 = tpu.vector_load %arg10[%swap3A, %swap3A_400] {strides = array<i32>} : memref<128x64xf32, #tpu.memory_space<vmem>>, vector<1x16xf32>,
        %swap3A_402 = vector.shape_cast %swap3A_401 : vector<1x16xf32> to vector<16xf32>
        %swap3A_403 = vector.shape_cast %get3A_399 : vector<16xf32> to vector<1x16xf32>
        tpu.vector_store %arg10[%swap3A, %swap3A_400], %swap3A_403 {add = true, strides = array<i32>} : memref<128x64xf32, #tpu.memory_space<vmem>>, vector<1x16xf32>,
        %add3A_404 = arith.constant 0 : i32
        %add3A_405 = arith.addi %add3A_404, %scan3A_394 : i32
        %get3A_406 = arith.index_cast %add3A_405 : i32 to index
        %get3A_407 = arith.constant 16 : index
        %get3A_408 = tpu.vector_load %arg7[%get3A_406, %get3A_407] {strides = array<i32>} : memref<200x64xf32, #tpu.memory_space<vmem>>, vector<1x16xf32>,
        %get3A_409 = vector.shape_cast %get3A_408 : vector<1x16xf32> to vector<16xf32>
        %swap3A_410 = arith.index_cast %scan3A_394 : i32 to index
        %swap3A_411 = arith.constant 16 : index
        %swap3A_412 = tpu.vector_load %arg10[%swap3A_410, %swap3A_411] {strides = array<i32>} : memref<128x64xf32, #tpu.memory_space<vmem>>, vector<1x16xf32>,
        %swap3A_413 = vector.shape_cast %swap3A_412 : vector<1x16xf32> to vector<16xf32>
        %swap3A_414 = vector.shape_cast %get3A_409 : vector<16xf32> to vector<1x16xf32>
        tpu.vector_store %arg10[%swap3A_410, %swap3A_411], %swap3A_414 {add = true, strides = array<i32>} : memref<128x64xf32, #tpu.memory_space<vmem>>, vector<1x16xf32>,
        %add3A_415 = arith.constant 0 : i32
        %add3A_416 = arith.addi %add3A_415, %scan3A_394 : i32
        %get3A_417 = arith.index_cast %add3A_416 : i32 to index
        %get3A_418 = arith.constant 32 : index
        %get3A_419 = tpu.vector_load %arg7[%get3A_417, %get3A_418] {strides = array<i32>} : memref<200x64xf32, #tpu.memory_space<vmem>>, vector<1x16xf32>,
        %get3A_420 = vector.shape_cast %get3A_419 : vector<1x16xf32> to vector<16xf32>
        %swap3A_421 = arith.index_cast %scan3A_394 : i32 to index
        %swap3A_422 = arith.constant 32 : index
        %swap3A_423 = tpu.vector_load %arg10[%swap3A_421, %swap3A_422] {strides = array<i32>} : memref<128x64xf32, #tpu.memory_space<vmem>>, vector<1x16xf32>,
        %swap3A_424 = vector.shape_cast %swap3A_423 : vector<1x16xf32> to vector<16xf32>
        %swap3A_425 = vector.shape_cast %get3A_420 : vector<16xf32> to vector<1x16xf32>
        tpu.vector_store %arg10[%swap3A_421, %swap3A_422], %swap3A_425 {add = true, strides = array<i32>} : memref<128x64xf32, #tpu.memory_space<vmem>>, vector<1x16xf32>,
        %add3A_426 = arith.constant 0 : i32
        %add3A_427 = arith.addi %add3A_426, %scan3A_394 : i32
        %get3A_428 = arith.index_cast %add3A_427 : i32 to index
        %get3A_429 = arith.constant 48 : index
        %get3A_430 = tpu.vector_load %arg7[%get3A_428, %get3A_429] {strides = array<i32>} : memref<200x64xf32, #tpu.memory_space<vmem>>, vector<1x16xf32>,
        %get3A_431 = vector.shape_cast %get3A_430 : vector<1x16xf32> to vector<16xf32>
        %swap3A_432 = arith.index_cast %scan3A_394 : i32 to index
        %swap3A_433 = arith.constant 48 : index
        %swap3A_434 = tpu.vector_load %arg10[%swap3A_432, %swap3A_433] {strides = array<i32>} : memref<128x64xf32, #tpu.memory_space<vmem>>, vector<1x16xf32>,
        %swap3A_435 = vector.shape_cast %swap3A_434 : vector<1x16xf32> to vector<16xf32>
        %swap3A_436 = vector.shape_cast %get3A_431 : vector<16xf32> to vector<1x16xf32>
        tpu.vector_store %arg10[%swap3A_432, %swap3A_433], %swap3A_436 {add = true, strides = array<i32>} : memref<128x64xf32, #tpu.memory_space<vmem>>, vector<1x16xf32>,
        %scan3A_437 = arith.constant 1 : i32
        %scan3A_438 = arith.addi %scan3A_394, %scan3A_437 : i32
        %add3A_439 = arith.constant 0 : i32
        %add3A_440 = arith.addi %add3A_439, %scan3A_438 : i32
        %get3A_441 = arith.index_cast %add3A_440 : i32 to index
        %get3A_442 = arith.constant 0 : index
        %get3A_443 = tpu.vector_load %arg7[%get3A_441, %get3A_442] {strides = array<i32>} : memref<200x64xf32, #tpu.memory_space<vmem>>, vector<1x16xf32>,
        %get3A_444 = vector.shape_cast %get3A_443 : vector<1x16xf32> to vector<16xf32>
        %swap3A_445 = arith.index_cast %scan3A_438 : i32 to index
        %swap3A_446 = arith.constant 0 : index
        %swap3A_447 = tpu.vector_load %arg10[%swap3A_445, %swap3A_446] {strides = array<i32>} : memref<128x64xf32, #tpu.memory_space<vmem>>, vector<1x16xf32>,
        %swap3A_448 = vector.shape_cast %swap3A_447 : vector<1x16xf32> to vector<16xf32>
        %swap3A_449 = vector.shape_cast %get3A_444 : vector<16xf32> to vector<1x16xf32>
        tpu.vector_store %arg10[%swap3A_445, %swap3A_446], %swap3A_449 {add = true, strides = array<i32>} : memref<128x64xf32, #tpu.memory_space<vmem>>, vector<1x16xf32>,
        %add3A_450 = arith.constant 0 : i32
        %add3A_451 = arith.addi %add3A_450, %scan3A_438 : i32
        %get3A_452 = arith.index_cast %add3A_451 : i32 to index
        %get3A_453 = arith.constant 16 : index
        %get3A_454 = tpu.vector_load %arg7[%get3A_452, %get3A_453] {strides = array<i32>} : memref<200x64xf32, #tpu.memory_space<vmem>>, vector<1x16xf32>,
        %get3A_455 = vector.shape_cast %get3A_454 : vector<1x16xf32> to vector<16xf32>
        %swap3A_456 = arith.index_cast %scan3A_438 : i32 to index
        %swap3A_457 = arith.constant 16 : index
        %swap3A_458 = tpu.vector_load %arg10[%swap3A_456, %swap3A_457] {strides = array<i32>} : memref<128x64xf32, #tpu.memory_space<vmem>>, vector<1x16xf32>,
        %swap3A_459 = vector.shape_cast %swap3A_458 : vector<1x16xf32> to vector<16xf32>
        %swap3A_460 = vector.shape_cast %get3A_455 : vector<16xf32> to vector<1x16xf32>
        tpu.vector_store %arg10[%swap3A_456, %swap3A_457], %swap3A_460 {add = true, strides = array<i32>} : memref<128x64xf32, #tpu.memory_space<vmem>>, vector<1x16xf32>,
        %add3A_461 = arith.constant 0 : i32
        %add3A_462 = arith.addi %add3A_461, %scan3A_438 : i32
        %get3A_463 = arith.index_cast %add3A_462 : i32 to index
        %get3A_464 = arith.constant 32 : index
        %get3A_465 = tpu.vector_load %arg7[%get3A_463, %get3A_464] {strides = array<i32>} : memref<200x64xf32, #tpu.memory_space<vmem>>, vector<1x16xf32>,
        %get3A_466 = vector.shape_cast %get3A_465 : vector<1x16xf32> to vector<16xf32>
        %swap3A_467 = arith.index_cast %scan3A_438 : i32 to index
        %swap3A_468 = arith.constant 32 : index
        %swap3A_469 = tpu.vector_load %arg10[%swap3A_467, %swap3A_468] {strides = array<i32>} : memref<128x64xf32, #tpu.memory_space<vmem>>, vector<1x16xf32>,
        %swap3A_470 = vector.shape_cast %swap3A_469 : vector<1x16xf32> to vector<16xf32>
        %swap3A_471 = vector.shape_cast %get3A_466 : vector<16xf32> to vector<1x16xf32>
        tpu.vector_store %arg10[%swap3A_467, %swap3A_468], %swap3A_471 {add = true, strides = array<i32>} : memref<128x64xf32, #tpu.memory_space<vmem>>, vector<1x16xf32>,
        %add3A_472 = arith.constant 0 : i32
        %add3A_473 = arith.addi %add3A_472, %scan3A_438 : i32
        %get3A_474 = arith.index_cast %add3A_473 : i32 to index
        %get3A_475 = arith.constant 48 : index
        %get3A_476 = tpu.vector_load %arg7[%get3A_474, %get3A_475] {strides = array<i32>} : memref<200x64xf32, #tpu.memory_space<vmem>>, vector<1x16xf32>,
        %get3A_477 = vector.shape_cast %get3A_476 : vector<1x16xf32> to vector<16xf32>
        %swap3A_478 = arith.index_cast %scan3A_438 : i32 to index
        %swap3A_479 = arith.constant 48 : index
        %swap3A_480 = tpu.vector_load %arg10[%swap3A_478, %swap3A_479] {strides = array<i32>} : memref<128x64xf32, #tpu.memory_space<vmem>>, vector<1x16xf32>,
        %swap3A_481 = vector.shape_cast %swap3A_480 : vector<1x16xf32> to vector<16xf32>
        %swap3A_482 = vector.shape_cast %get3A_477 : vector<16xf32> to vector<1x16xf32>
        tpu.vector_store %arg10[%swap3A_478, %swap3A_479], %swap3A_482 {add = true, strides = array<i32>} : memref<128x64xf32, #tpu.memory_space<vmem>>, vector<1x16xf32>,
        %scan3A_483 = arith.constant 2 : i32
        %scan3A_484 = arith.addi %scan3A_394, %scan3A_483 : i32
        %add3A_485 = arith.constant 0 : i32
        %add3A_486 = arith.addi %add3A_485, %scan3A_484 : i32
        %get3A_487 = arith.index_cast %add3A_486 : i32 to index
        %get3A_488 = arith.constant 0 : index
        %get3A_489 = tpu.vector_load %arg7[%get3A_487, %get3A_488] {strides = array<i32>} : memref<200x64xf32, #tpu.memory_space<vmem>>, vector<1x16xf32>,
        %get3A_490 = vector.shape_cast %get3A_489 : vector<1x16xf32> to vector<16xf32>
        %swap3A_491 = arith.index_cast %scan3A_484 : i32 to index
        %swap3A_492 = arith.constant 0 : index
        %swap3A_493 = tpu.vector_load %arg10[%swap3A_491, %swap3A_492] {strides = array<i32>} : memref<128x64xf32, #tpu.memory_space<vmem>>, vector<1x16xf32>,
        %swap3A_494 = vector.shape_cast %swap3A_493 : vector<1x16xf32> to vector<16xf32>
        %swap3A_495 = vector.shape_cast %get3A_490 : vector<16xf32> to vector<1x16xf32>
        tpu.vector_store %arg10[%swap3A_491, %swap3A_492], %swap3A_495 {add = true, strides = array<i32>} : memref<128x64xf32, #tpu.memory_space<vmem>>, vector<1x16xf32>,
        %add3A_496 = arith.constant 0 : i32
        %add3A_497 = arith.addi %add3A_496, %scan3A_484 : i32
        %get3A_498 = arith.index_cast %add3A_497 : i32 to index
        %get3A_499 = arith.constant 16 : index
        %get3A_500 = tpu.vector_load %arg7[%get3A_498, %get3A_499] {strides = array<i32>} : memref<200x64xf32, #tpu.memory_space<vmem>>, vector<1x16xf32>,
        %get3A_501 = vector.shape_cast %get3A_500 : vector<1x16xf32> to vector<16xf32>
        %swap3A_502 = arith.index_cast %scan3A_484 : i32 to index
        %swap3A_503 = arith.constant 16 : index
        %swap3A_504 = tpu.vector_load %arg10[%swap3A_502, %swap3A_503] {strides = array<i32>} : memref<128x64xf32, #tpu.memory_space<vmem>>, vector<1x16xf32>,
        %swap3A_505 = vector.shape_cast %swap3A_504 : vector<1x16xf32> to vector<16xf32>
        %swap3A_506 = vector.shape_cast %get3A_501 : vector<16xf32> to vector<1x16xf32>
        tpu.vector_store %arg10[%swap3A_502, %swap3A_503], %swap3A_506 {add = true, strides = array<i32>} : memref<128x64xf32, #tpu.memory_space<vmem>>, vector<1x16xf32>,
        %add3A_507 = arith.constant 0 : i32
        %add3A_508 = arith.addi %add3A_507, %scan3A_484 : i32
        %get3A_509 = arith.index_cast %add3A_508 : i32 to index
        %get3A_510 = arith.constant 32 : index
        %get3A_511 = tpu.vector_load %arg7[%get3A_509, %get3A_510] {strides = array<i32>} : memref<200x64xf32, #tpu.memory_space<vmem>>, vector<1x16xf32>,
        %get3A_512 = vector.shape_cast %get3A_511 : vector<1x16xf32> to vector<16xf32>
        %swap3A_513 = arith.index_cast %scan3A_484 : i32 to index
        %swap3A_514 = arith.constant 32 : index
        %swap3A_515 = tpu.vector_load %arg10[%swap3A_513, %swap3A_514] {strides = array<i32>} : memref<128x64xf32, #tpu.memory_space<vmem>>, vector<1x16xf32>,
        %swap3A_516 = vector.shape_cast %swap3A_515 : vector<1x16xf32> to vector<16xf32>
        %swap3A_517 = vector.shape_cast %get3A_512 : vector<16xf32> to vector<1x16xf32>
        tpu.vector_store %arg10[%swap3A_513, %swap3A_514], %swap3A_517 {add = true, strides = array<i32>} : memref<128x64xf32, #tpu.memory_space<vmem>>, vector<1x16xf32>,
        %add3A_518 = arith.constant 0 : i32
        %add3A_519 = arith.addi %add3A_518, %scan3A_484 : i32
        %get3A_520 = arith.index_cast %add3A_519 : i32 to index
        %get3A_521 = arith.constant 48 : index
        %get3A_522 = tpu.vector_load %arg7[%get3A_520, %get3A_521] {strides = array<i32>} : memref<200x64xf32, #tpu.memory_space<vmem>>, vector<1x16xf32>,
        %get3A_523 = vector.shape_cast %get3A_522 : vector<1x16xf32> to vector<16xf32>
        %swap3A_524 = arith.index_cast %scan3A_484 : i32 to index
        %swap3A_525 = arith.constant 48 : index
        %swap3A_526 = tpu.vector_load %arg10[%swap3A_524, %swap3A_525] {strides = array<i32>} : memref<128x64xf32, #tpu.memory_space<vmem>>, vector<1x16xf32>,
        %swap3A_527 = vector.shape_cast %swap3A_526 : vector<1x16xf32> to vector<16xf32>
        %swap3A_528 = vector.shape_cast %get3A_523 : vector<16xf32> to vector<1x16xf32>
        tpu.vector_store %arg10[%swap3A_524, %swap3A_525], %swap3A_528 {add = true, strides = array<i32>} : memref<128x64xf32, #tpu.memory_space<vmem>>, vector<1x16xf32>,
        %scan3A_529 = arith.constant 3 : i32
        %scan3A_530 = arith.addi %scan3A_394, %scan3A_529 : i32
        %add3A_531 = arith.constant 0 : i32
        %add3A_532 = arith.addi %add3A_531, %scan3A_530 : i32
        %get3A_533 = arith.index_cast %add3A_532 : i32 to index
        %get3A_534 = arith.constant 0 : index
        %get3A_535 = tpu.vector_load %arg7[%get3A_533, %get3A_534] {strides = array<i32>} : memref<200x64xf32, #tpu.memory_space<vmem>>, vector<1x16xf32>,
        %get3A_536 = vector.shape_cast %get3A_535 : vector<1x16xf32> to vector<16xf32>
        %swap3A_537 = arith.index_cast %scan3A_530 : i32 to index
        %swap3A_538 = arith.constant 0 : index
        %swap3A_539 = tpu.vector_load %arg10[%swap3A_537, %swap3A_538] {strides = array<i32>} : memref<128x64xf32, #tpu.memory_space<vmem>>, vector<1x16xf32>,
        %swap3A_540 = vector.shape_cast %swap3A_539 : vector<1x16xf32> to vector<16xf32>
        %swap3A_541 = vector.shape_cast %get3A_536 : vector<16xf32> to vector<1x16xf32>
        tpu.vector_store %arg10[%swap3A_537, %swap3A_538], %swap3A_541 {add = true, strides = array<i32>} : memref<128x64xf32, #tpu.memory_space<vmem>>, vector<1x16xf32>,
        %add3A_542 = arith.constant 0 : i32
        %add3A_543 = arith.addi %add3A_542, %scan3A_530 : i32
        %get3A_544 = arith.index_cast %add3A_543 : i32 to index
        %get3A_545 = arith.constant 16 : index
        %get3A_546 = tpu.vector_load %arg7[%get3A_544, %get3A_545] {strides = array<i32>} : memref<200x64xf32, #tpu.memory_space<vmem>>, vector<1x16xf32>,
        %get3A_547 = vector.shape_cast %get3A_546 : vector<1x16xf32> to vector<16xf32>
        %swap3A_548 = arith.index_cast %scan3A_530 : i32 to index
        %swap3A_549 = arith.constant 16 : index
        %swap3A_550 = tpu.vector_load %arg10[%swap3A_548, %swap3A_549] {strides = array<i32>} : memref<128x64xf32, #tpu.memory_space<vmem>>, vector<1x16xf32>,
        %swap3A_551 = vector.shape_cast %swap3A_550 : vector<1x16xf32> to vector<16xf32>
        %swap3A_552 = vector.shape_cast %get3A_547 : vector<16xf32> to vector<1x16xf32>
        tpu.vector_store %arg10[%swap3A_548, %swap3A_549], %swap3A_552 {add = true, strides = array<i32>} : memref<128x64xf32, #tpu.memory_space<vmem>>, vector<1x16xf32>,
        %add3A_553 = arith.constant 0 : i32
        %add3A_554 = arith.addi %add3A_553, %scan3A_530 : i32
        %get3A_555 = arith.index_cast %add3A_554 : i32 to index
        %get3A_556 = arith.constant 32 : index
        %get3A_557 = tpu.vector_load %arg7[%get3A_555, %get3A_556] {strides = array<i32>} : memref<200x64xf32, #tpu.memory_space<vmem>>, vector<1x16xf32>,
        %get3A_558 = vector.shape_cast %get3A_557 : vector<1x16xf32> to vector<16xf32>
        %swap3A_559 = arith.index_cast %scan3A_530 : i32 to index
        %swap3A_560 = arith.constant 32 : index
        %swap3A_561 = tpu.vector_load %arg10[%swap3A_559, %swap3A_560] {strides = array<i32>} : memref<128x64xf32, #tpu.memory_space<vmem>>, vector<1x16xf32>,
        %swap3A_562 = vector.shape_cast %swap3A_561 : vector<1x16xf32> to vector<16xf32>
        %swap3A_563 = vector.shape_cast %get3A_558 : vector<16xf32> to vector<1x16xf32>
        tpu.vector_store %arg10[%swap3A_559, %swap3A_560], %swap3A_563 {add = true, strides = array<i32>} : memref<128x64xf32, #tpu.memory_space<vmem>>, vector<1x16xf32>,
        %add3A_564 = arith.constant 0 : i32
        %add3A_565 = arith.addi %add3A_564, %scan3A_530 : i32
        %get3A_566 = arith.index_cast %add3A_565 : i32 to index
        %get3A_567 = arith.constant 48 : index
        %get3A_568 = tpu.vector_load %arg7[%get3A_566, %get3A_567] {strides = array<i32>} : memref<200x64xf32, #tpu.memory_space<vmem>>, vector<1x16xf32>,
        %get3A_569 = vector.shape_cast %get3A_568 : vector<1x16xf32> to vector<16xf32>
        %swap3A_570 = arith.index_cast %scan3A_530 : i32 to index
        %swap3A_571 = arith.constant 48 : index
        %swap3A_572 = tpu.vector_load %arg10[%swap3A_570, %swap3A_571] {strides = array<i32>} : memref<128x64xf32, #tpu.memory_space<vmem>>, vector<1x16xf32>,
        %swap3A_573 = vector.shape_cast %swap3A_572 : vector<1x16xf32> to vector<16xf32>
        %swap3A_574 = vector.shape_cast %get3A_569 : vector<16xf32> to vector<1x16xf32>
        tpu.vector_store %arg10[%swap3A_570, %swap3A_571], %swap3A_574 {add = true, strides = array<i32>} : memref<128x64xf32, #tpu.memory_space<vmem>>, vector<1x16xf32>,
      }
      %scan3A_200 = arith.constant 128 : i32
      %add3A_201 = arith.addi %mul3A_2, %select_n3A_188 : i32
      %dma_start3A_202 = arith.constant 0 : i32
      %dma_start3A_203 = arith.constant 0 : i32
      %dma_start3A_204 = tpu.memref_slice %arg5[%add3A_201, %dma_start3A_202, %dma_start3A_203] : memref<1024x200x64xf32, #tpu.memory_space<hbm>> -> memref<1x128x64xf32, #tpu.memory_space<hbm>>
      %dma_start3A_205 = tpu.memref_squeeze %dma_start3A_204 : memref<1x128x64xf32, #tpu.memory_space<hbm>> -> memref<128x64xf32, #tpu.memory_space<hbm>>
      %dma_start3A_206 = arith.constant 0 : i32
      %dma_start3A_207 = arith.constant 0 : i32
      %dma_start3A_208 = tpu.memref_slice %arg5[%add3A_201, %dma_start3A_206, %dma_start3A_207] : memref<1024x200x64xf32, #tpu.memory_space<hbm>> -> memref<1x128x64xf32, #tpu.memory_space<hbm>>
      %dma_start3A_209 = tpu.memref_squeeze %dma_start3A_208 : memref<1x128x64xf32, #tpu.memory_space<hbm>> -> memref<128x64xf32, #tpu.memory_space<hbm>>
      tpu.enqueue_dma source(%arg10 : memref<128x64xf32, #tpu.memory_space<vmem>>) target(%dma_start3A_209 : memref<128x64xf32, #tpu.memory_space<hbm>>) target_semaphore(%arg18 : memref<!tpu.dma_semaphore, #tpu.memory_space<semaphore_mem>>)
      %add3A_210 = arith.constant 3 : i32
      %add3A_211 = arith.addi %mul3A_76, %add3A_210 : i32
      %jit3A_212 = arith.constant 2 : i32
      %div3A_213 = arith.divsi %add3A_211, %jit3A_212 : i32
      %sign3A_214 = arith.constant 0 : i32
      %sign3A_215 = arith.cmpi sgt, %add3A_211, %sign3A_214 : i32
      %sign3A_216 = arith.extui %sign3A_215 : i1 to i32
      %sign3A_217 = arith.constant 0 : i32
      %sign3A_218 = arith.cmpi slt, %add3A_211, %sign3A_217 : i32
      %sign3A_219 = arith.extui %sign3A_218 : i1 to i32
      %sign3A_220 = arith.subi %sign3A_216, %sign3A_219 : i32
      %sign3A_221 = arith.constant 0 : i32
      %sign3A_222 = arith.cmpi sgt, %jit3A_212, %sign3A_221 : i32
      %sign3A_223 = arith.extui %sign3A_222 : i1 to i32
      %sign3A_224 = arith.constant 0 : i32
      %sign3A_225 = arith.cmpi slt, %jit3A_212, %sign3A_224 : i32
      %sign3A_226 = arith.extui %sign3A_225 : i1 to i32
      %sign3A_227 = arith.subi %sign3A_223, %sign3A_226 : i32
      %ne3A_228 = arith.cmpi ne, %sign3A_220, %sign3A_227 : i32
      %rem3A_229 = arith.remsi %add3A_211, %jit3A_212 : i32
      %ne3A_230 = arith.constant 0 : i32
      %ne3A_231 = arith.cmpi ne, %rem3A_229, %ne3A_230 : i32
      %and3A_232 = arith.andi %ne3A_228, %ne3A_231 : i1
      %sub3A_233 = arith.constant 1 : i32
      %sub3A_234 = arith.subi %div3A_213, %sub3A_233 : i32
      %select_n3A_235 = arith.select %and3A_232, %sub3A_234, %div3A_213 : i32
      %dma_wait3A_236 = arith.constant 0 : i32
      %dma_wait3A_237 = arith.constant 0 : i32
      %dma_wait3A_238 = tpu.memref_slice %arg3[%dma_wait3A_236, %dma_wait3A_237] : memref<1000000x64xf32, #tpu.memory_space<hbm>> -> memref<72x64xf32, #tpu.memory_space<hbm>>
      %dma_wait3A_239 = arith.constant 0 : i32
      %dma_wait3A_240 = arith.constant 0 : i32
      %dma_wait3A_241 = tpu.memref_slice %arg3[%dma_wait3A_239, %dma_wait3A_240] : memref<1000000x64xf32, #tpu.memory_space<hbm>> -> memref<72x64xf32, #tpu.memory_space<hbm>>
      tpu.wait_dma2 semaphore(%arg15 : memref<!tpu.dma_semaphore, #tpu.memory_space<semaphore_mem>>) src(%dma_wait3A_241 : memref<72x64xf32, #tpu.memory_space<hbm>>) dst(%arg11 : memref<72x64xf32, #tpu.memory_space<vmem>>)
      %scan3A_242 = arith.constant 0 : i32
      %scan3A_243 = arith.constant 0 : i32
      %scan3A_244 = arith.constant 72 : i32
      %scan3A_245 = arith.addi %scan3A_243, %scan3A_244 : i32
      %scan3A_246 = arith.constant 4 : i32
      scf.for %scan3A_394 = %scan3A_243 to %scan3A_245 step %scan3A_246  : i32 {
        %add3A_395 = arith.constant 128 : i32
        %add3A_396 = arith.addi %add3A_395, %scan3A_394 : i32
        %get3A = arith.index_cast %add3A_396 : i32 to index
        %get3A_397 = arith.constant 0 : index
        %get3A_398 = tpu.vector_load %arg7[%get3A, %get3A_397] {strides = array<i32>} : memref<200x64xf32, #tpu.memory_space<vmem>>, vector<1x16xf32>,
        %get3A_399 = vector.shape_cast %get3A_398 : vector<1x16xf32> to vector<16xf32>
        %swap3A = arith.index_cast %scan3A_394 : i32 to index
        %swap3A_400 = arith.constant 0 : index
        %swap3A_401 = tpu.vector_load %arg11[%swap3A, %swap3A_400] {strides = array<i32>} : memref<72x64xf32, #tpu.memory_space<vmem>>, vector<1x16xf32>,
        %swap3A_402 = vector.shape_cast %swap3A_401 : vector<1x16xf32> to vector<16xf32>
        %swap3A_403 = vector.shape_cast %get3A_399 : vector<16xf32> to vector<1x16xf32>
        tpu.vector_store %arg11[%swap3A, %swap3A_400], %swap3A_403 {add = true, strides = array<i32>} : memref<72x64xf32, #tpu.memory_space<vmem>>, vector<1x16xf32>,
        %add3A_404 = arith.constant 128 : i32
        %add3A_405 = arith.addi %add3A_404, %scan3A_394 : i32
        %get3A_406 = arith.index_cast %add3A_405 : i32 to index
        %get3A_407 = arith.constant 16 : index
        %get3A_408 = tpu.vector_load %arg7[%get3A_406, %get3A_407] {strides = array<i32>} : memref<200x64xf32, #tpu.memory_space<vmem>>, vector<1x16xf32>,
        %get3A_409 = vector.shape_cast %get3A_408 : vector<1x16xf32> to vector<16xf32>
        %swap3A_410 = arith.index_cast %scan3A_394 : i32 to index
        %swap3A_411 = arith.constant 16 : index
        %swap3A_412 = tpu.vector_load %arg11[%swap3A_410, %swap3A_411] {strides = array<i32>} : memref<72x64xf32, #tpu.memory_space<vmem>>, vector<1x16xf32>,
        %swap3A_413 = vector.shape_cast %swap3A_412 : vector<1x16xf32> to vector<16xf32>
        %swap3A_414 = vector.shape_cast %get3A_409 : vector<16xf32> to vector<1x16xf32>
        tpu.vector_store %arg11[%swap3A_410, %swap3A_411], %swap3A_414 {add = true, strides = array<i32>} : memref<72x64xf32, #tpu.memory_space<vmem>>, vector<1x16xf32>,
        %add3A_415 = arith.constant 128 : i32
        %add3A_416 = arith.addi %add3A_415, %scan3A_394 : i32
        %get3A_417 = arith.index_cast %add3A_416 : i32 to index
        %get3A_418 = arith.constant 32 : index
        %get3A_419 = tpu.vector_load %arg7[%get3A_417, %get3A_418] {strides = array<i32>} : memref<200x64xf32, #tpu.memory_space<vmem>>, vector<1x16xf32>,
        %get3A_420 = vector.shape_cast %get3A_419 : vector<1x16xf32> to vector<16xf32>
        %swap3A_421 = arith.index_cast %scan3A_394 : i32 to index
        %swap3A_422 = arith.constant 32 : index
        %swap3A_423 = tpu.vector_load %arg11[%swap3A_421, %swap3A_422] {strides = array<i32>} : memref<72x64xf32, #tpu.memory_space<vmem>>, vector<1x16xf32>,
        %swap3A_424 = vector.shape_cast %swap3A_423 : vector<1x16xf32> to vector<16xf32>
        %swap3A_425 = vector.shape_cast %get3A_420 : vector<16xf32> to vector<1x16xf32>
        tpu.vector_store %arg11[%swap3A_421, %swap3A_422], %swap3A_425 {add = true, strides = array<i32>} : memref<72x64xf32, #tpu.memory_space<vmem>>, vector<1x16xf32>,
        %add3A_426 = arith.constant 128 : i32
        %add3A_427 = arith.addi %add3A_426, %scan3A_394 : i32
        %get3A_428 = arith.index_cast %add3A_427 : i32 to index
        %get3A_429 = arith.constant 48 : index
        %get3A_430 = tpu.vector_load %arg7[%get3A_428, %get3A_429] {strides = array<i32>} : memref<200x64xf32, #tpu.memory_space<vmem>>, vector<1x16xf32>,
        %get3A_431 = vector.shape_cast %get3A_430 : vector<1x16xf32> to vector<16xf32>
        %swap3A_432 = arith.index_cast %scan3A_394 : i32 to index
        %swap3A_433 = arith.constant 48 : index
        %swap3A_434 = tpu.vector_load %arg11[%swap3A_432, %swap3A_433] {strides = array<i32>} : memref<72x64xf32, #tpu.memory_space<vmem>>, vector<1x16xf32>,
        %swap3A_435 = vector.shape_cast %swap3A_434 : vector<1x16xf32> to vector<16xf32>
        %swap3A_436 = vector.shape_cast %get3A_431 : vector<16xf32> to vector<1x16xf32>
        tpu.vector_store %arg11[%swap3A_432, %swap3A_433], %swap3A_436 {add = true, strides = array<i32>} : memref<72x64xf32, #tpu.memory_space<vmem>>, vector<1x16xf32>,
        %scan3A_437 = arith.constant 1 : i32
        %scan3A_438 = arith.addi %scan3A_394, %scan3A_437 : i32
        %add3A_439 = arith.constant 128 : i32
        %add3A_440 = arith.addi %add3A_439, %scan3A_438 : i32
        %get3A_441 = arith.index_cast %add3A_440 : i32 to index
        %get3A_442 = arith.constant 0 : index
        %get3A_443 = tpu.vector_load %arg7[%get3A_441, %get3A_442] {strides = array<i32>} : memref<200x64xf32, #tpu.memory_space<vmem>>, vector<1x16xf32>,
        %get3A_444 = vector.shape_cast %get3A_443 : vector<1x16xf32> to vector<16xf32>
        %swap3A_445 = arith.index_cast %scan3A_438 : i32 to index
        %swap3A_446 = arith.constant 0 : index
        %swap3A_447 = tpu.vector_load %arg11[%swap3A_445, %swap3A_446] {strides = array<i32>} : memref<72x64xf32, #tpu.memory_space<vmem>>, vector<1x16xf32>,
        %swap3A_448 = vector.shape_cast %swap3A_447 : vector<1x16xf32> to vector<16xf32>
        %swap3A_449 = vector.shape_cast %get3A_444 : vector<16xf32> to vector<1x16xf32>
        tpu.vector_store %arg11[%swap3A_445, %swap3A_446], %swap3A_449 {add = true, strides = array<i32>} : memref<72x64xf32, #tpu.memory_space<vmem>>, vector<1x16xf32>,
        %add3A_450 = arith.constant 128 : i32
        %add3A_451 = arith.addi %add3A_450, %scan3A_438 : i32
        %get3A_452 = arith.index_cast %add3A_451 : i32 to index
        %get3A_453 = arith.constant 16 : index
        %get3A_454 = tpu.vector_load %arg7[%get3A_452, %get3A_453] {strides = array<i32>} : memref<200x64xf32, #tpu.memory_space<vmem>>, vector<1x16xf32>,
        %get3A_455 = vector.shape_cast %get3A_454 : vector<1x16xf32> to vector<16xf32>
        %swap3A_456 = arith.index_cast %scan3A_438 : i32 to index
        %swap3A_457 = arith.constant 16 : index
        %swap3A_458 = tpu.vector_load %arg11[%swap3A_456, %swap3A_457] {strides = array<i32>} : memref<72x64xf32, #tpu.memory_space<vmem>>, vector<1x16xf32>,
        %swap3A_459 = vector.shape_cast %swap3A_458 : vector<1x16xf32> to vector<16xf32>
        %swap3A_460 = vector.shape_cast %get3A_455 : vector<16xf32> to vector<1x16xf32>
        tpu.vector_store %arg11[%swap3A_456, %swap3A_457], %swap3A_460 {add = true, strides = array<i32>} : memref<72x64xf32, #tpu.memory_space<vmem>>, vector<1x16xf32>,
        %add3A_461 = arith.constant 128 : i32
        %add3A_462 = arith.addi %add3A_461, %scan3A_438 : i32
        %get3A_463 = arith.index_cast %add3A_462 : i32 to index
        %get3A_464 = arith.constant 32 : index
        %get3A_465 = tpu.vector_load %arg7[%get3A_463, %get3A_464] {strides = array<i32>} : memref<200x64xf32, #tpu.memory_space<vmem>>, vector<1x16xf32>,
        %get3A_466 = vector.shape_cast %get3A_465 : vector<1x16xf32> to vector<16xf32>
        %swap3A_467 = arith.index_cast %scan3A_438 : i32 to index
        %swap3A_468 = arith.constant 32 : index
        %swap3A_469 = tpu.vector_load %arg11[%swap3A_467, %swap3A_468] {strides = array<i32>} : memref<72x64xf32, #tpu.memory_space<vmem>>, vector<1x16xf32>,
        %swap3A_470 = vector.shape_cast %swap3A_469 : vector<1x16xf32> to vector<16xf32>
        %swap3A_471 = vector.shape_cast %get3A_466 : vector<16xf32> to vector<1x16xf32>
        tpu.vector_store %arg11[%swap3A_467, %swap3A_468], %swap3A_471 {add = true, strides = array<i32>} : memref<72x64xf32, #tpu.memory_space<vmem>>, vector<1x16xf32>,
        %add3A_472 = arith.constant 128 : i32
        %add3A_473 = arith.addi %add3A_472, %scan3A_438 : i32
        %get3A_474 = arith.index_cast %add3A_473 : i32 to index
        %get3A_475 = arith.constant 48 : index
        %get3A_476 = tpu.vector_load %arg7[%get3A_474, %get3A_475] {strides = array<i32>} : memref<200x64xf32, #tpu.memory_space<vmem>>, vector<1x16xf32>,
        %get3A_477 = vector.shape_cast %get3A_476 : vector<1x16xf32> to vector<16xf32>
        %swap3A_478 = arith.index_cast %scan3A_438 : i32 to index
        %swap3A_479 = arith.constant 48 : index
        %swap3A_480 = tpu.vector_load %arg11[%swap3A_478, %swap3A_479] {strides = array<i32>} : memref<72x64xf32, #tpu.memory_space<vmem>>, vector<1x16xf32>,
        %swap3A_481 = vector.shape_cast %swap3A_480 : vector<1x16xf32> to vector<16xf32>
        %swap3A_482 = vector.shape_cast %get3A_477 : vector<16xf32> to vector<1x16xf32>
        tpu.vector_store %arg11[%swap3A_478, %swap3A_479], %swap3A_482 {add = true, strides = array<i32>} : memref<72x64xf32, #tpu.memory_space<vmem>>, vector<1x16xf32>,
        %scan3A_483 = arith.constant 2 : i32
        %scan3A_484 = arith.addi %scan3A_394, %scan3A_483 : i32
        %add3A_485 = arith.constant 128 : i32
        %add3A_486 = arith.addi %add3A_485, %scan3A_484 : i32
        %get3A_487 = arith.index_cast %add3A_486 : i32 to index
        %get3A_488 = arith.constant 0 : index
        %get3A_489 = tpu.vector_load %arg7[%get3A_487, %get3A_488] {strides = array<i32>} : memref<200x64xf32, #tpu.memory_space<vmem>>, vector<1x16xf32>,
        %get3A_490 = vector.shape_cast %get3A_489 : vector<1x16xf32> to vector<16xf32>
        %swap3A_491 = arith.index_cast %scan3A_484 : i32 to index
        %swap3A_492 = arith.constant 0 : index
        %swap3A_493 = tpu.vector_load %arg11[%swap3A_491, %swap3A_492] {strides = array<i32>} : memref<72x64xf32, #tpu.memory_space<vmem>>, vector<1x16xf32>,
        %swap3A_494 = vector.shape_cast %swap3A_493 : vector<1x16xf32> to vector<16xf32>
        %swap3A_495 = vector.shape_cast %get3A_490 : vector<16xf32> to vector<1x16xf32>
        tpu.vector_store %arg11[%swap3A_491, %swap3A_492], %swap3A_495 {add = true, strides = array<i32>} : memref<72x64xf32, #tpu.memory_space<vmem>>, vector<1x16xf32>,
        %add3A_496 = arith.constant 128 : i32
        %add3A_497 = arith.addi %add3A_496, %scan3A_484 : i32
        %get3A_498 = arith.index_cast %add3A_497 : i32 to index
        %get3A_499 = arith.constant 16 : index
        %get3A_500 = tpu.vector_load %arg7[%get3A_498, %get3A_499] {strides = array<i32>} : memref<200x64xf32, #tpu.memory_space<vmem>>, vector<1x16xf32>,
        %get3A_501 = vector.shape_cast %get3A_500 : vector<1x16xf32> to vector<16xf32>
        %swap3A_502 = arith.index_cast %scan3A_484 : i32 to index
        %swap3A_503 = arith.constant 16 : index
        %swap3A_504 = tpu.vector_load %arg11[%swap3A_502, %swap3A_503] {strides = array<i32>} : memref<72x64xf32, #tpu.memory_space<vmem>>, vector<1x16xf32>,
        %swap3A_505 = vector.shape_cast %swap3A_504 : vector<1x16xf32> to vector<16xf32>
        %swap3A_506 = vector.shape_cast %get3A_501 : vector<16xf32> to vector<1x16xf32>
        tpu.vector_store %arg11[%swap3A_502, %swap3A_503], %swap3A_506 {add = true, strides = array<i32>} : memref<72x64xf32, #tpu.memory_space<vmem>>, vector<1x16xf32>,
        %add3A_507 = arith.constant 128 : i32
        %add3A_508 = arith.addi %add3A_507, %scan3A_484 : i32
        %get3A_509 = arith.index_cast %add3A_508 : i32 to index
        %get3A_510 = arith.constant 32 : index
        %get3A_511 = tpu.vector_load %arg7[%get3A_509, %get3A_510] {strides = array<i32>} : memref<200x64xf32, #tpu.memory_space<vmem>>, vector<1x16xf32>,
        %get3A_512 = vector.shape_cast %get3A_511 : vector<1x16xf32> to vector<16xf32>
        %swap3A_513 = arith.index_cast %scan3A_484 : i32 to index
        %swap3A_514 = arith.constant 32 : index
        %swap3A_515 = tpu.vector_load %arg11[%swap3A_513, %swap3A_514] {strides = array<i32>} : memref<72x64xf32, #tpu.memory_space<vmem>>, vector<1x16xf32>,
        %swap3A_516 = vector.shape_cast %swap3A_515 : vector<1x16xf32> to vector<16xf32>
        %swap3A_517 = vector.shape_cast %get3A_512 : vector<16xf32> to vector<1x16xf32>
        tpu.vector_store %arg11[%swap3A_513, %swap3A_514], %swap3A_517 {add = true, strides = array<i32>} : memref<72x64xf32, #tpu.memory_space<vmem>>, vector<1x16xf32>,
        %add3A_518 = arith.constant 128 : i32
        %add3A_519 = arith.addi %add3A_518, %scan3A_484 : i32
        %get3A_520 = arith.index_cast %add3A_519 : i32 to index
        %get3A_521 = arith.constant 48 : index
        %get3A_522 = tpu.vector_load %arg7[%get3A_520, %get3A_521] {strides = array<i32>} : memref<200x64xf32, #tpu.memory_space<vmem>>, vector<1x16xf32>,
        %get3A_523 = vector.shape_cast %get3A_522 : vector<1x16xf32> to vector<16xf32>
        %swap3A_524 = arith.index_cast %scan3A_484 : i32 to index
        %swap3A_525 = arith.constant 48 : index
        %swap3A_526 = tpu.vector_load %arg11[%swap3A_524, %swap3A_525] {strides = array<i32>} : memref<72x64xf32, #tpu.memory_space<vmem>>, vector<1x16xf32>,
        %swap3A_527 = vector.shape_cast %swap3A_526 : vector<1x16xf32> to vector<16xf32>
        %swap3A_528 = vector.shape_cast %get3A_523 : vector<16xf32> to vector<1x16xf32>
        tpu.vector_store %arg11[%swap3A_524, %swap3A_525], %swap3A_528 {add = true, strides = array<i32>} : memref<72x64xf32, #tpu.memory_space<vmem>>, vector<1x16xf32>,
        %scan3A_529 = arith.constant 3 : i32
        %scan3A_530 = arith.addi %scan3A_394, %scan3A_529 : i32
        %add3A_531 = arith.constant 128 : i32
        %add3A_532 = arith.addi %add3A_531, %scan3A_530 : i32
        %get3A_533 = arith.index_cast %add3A_532 : i32 to index
        %get3A_534 = arith.constant 0 : index
        %get3A_535 = tpu.vector_load %arg7[%get3A_533, %get3A_534] {strides = array<i32>} : memref<200x64xf32, #tpu.memory_space<vmem>>, vector<1x16xf32>,
        %get3A_536 = vector.shape_cast %get3A_535 : vector<1x16xf32> to vector<16xf32>
        %swap3A_537 = arith.index_cast %scan3A_530 : i32 to index
        %swap3A_538 = arith.constant 0 : index
        %swap3A_539 = tpu.vector_load %arg11[%swap3A_537, %swap3A_538] {strides = array<i32>} : memref<72x64xf32, #tpu.memory_space<vmem>>, vector<1x16xf32>,
        %swap3A_540 = vector.shape_cast %swap3A_539 : vector<1x16xf32> to vector<16xf32>
        %swap3A_541 = vector.shape_cast %get3A_536 : vector<16xf32> to vector<1x16xf32>
        tpu.vector_store %arg11[%swap3A_537, %swap3A_538], %swap3A_541 {add = true, strides = array<i32>} : memref<72x64xf32, #tpu.memory_space<vmem>>, vector<1x16xf32>,
        %add3A_542 = arith.constant 128 : i32
        %add3A_543 = arith.addi %add3A_542, %scan3A_530 : i32
        %get3A_544 = arith.index_cast %add3A_543 : i32 to index
        %get3A_545 = arith.constant 16 : index
        %get3A_546 = tpu.vector_load %arg7[%get3A_544, %get3A_545] {strides = array<i32>} : memref<200x64xf32, #tpu.memory_space<vmem>>, vector<1x16xf32>,
        %get3A_547 = vector.shape_cast %get3A_546 : vector<1x16xf32> to vector<16xf32>
        %swap3A_548 = arith.index_cast %scan3A_530 : i32 to index
        %swap3A_549 = arith.constant 16 : index
        %swap3A_550 = tpu.vector_load %arg11[%swap3A_548, %swap3A_549] {strides = array<i32>} : memref<72x64xf32, #tpu.memory_space<vmem>>, vector<1x16xf32>,
        %swap3A_551 = vector.shape_cast %swap3A_550 : vector<1x16xf32> to vector<16xf32>
        %swap3A_552 = vector.shape_cast %get3A_547 : vector<16xf32> to vector<1x16xf32>
        tpu.vector_store %arg11[%swap3A_548, %swap3A_549], %swap3A_552 {add = true, strides = array<i32>} : memref<72x64xf32, #tpu.memory_space<vmem>>, vector<1x16xf32>,
        %add3A_553 = arith.constant 128 : i32
        %add3A_554 = arith.addi %add3A_553, %scan3A_530 : i32
        %get3A_555 = arith.index_cast %add3A_554 : i32 to index
        %get3A_556 = arith.constant 32 : index
        %get3A_557 = tpu.vector_load %arg7[%get3A_555, %get3A_556] {strides = array<i32>} : memref<200x64xf32, #tpu.memory_space<vmem>>, vector<1x16xf32>,
        %get3A_558 = vector.shape_cast %get3A_557 : vector<1x16xf32> to vector<16xf32>
        %swap3A_559 = arith.index_cast %scan3A_530 : i32 to index
        %swap3A_560 = arith.constant 32 : index
        %swap3A_561 = tpu.vector_load %arg11[%swap3A_559, %swap3A_560] {strides = array<i32>} : memref<72x64xf32, #tpu.memory_space<vmem>>, vector<1x16xf32>,
        %swap3A_562 = vector.shape_cast %swap3A_561 : vector<1x16xf32> to vector<16xf32>
        %swap3A_563 = vector.shape_cast %get3A_558 : vector<16xf32> to vector<1x16xf32>
        tpu.vector_store %arg11[%swap3A_559, %swap3A_560], %swap3A_563 {add = true, strides = array<i32>} : memref<72x64xf32, #tpu.memory_space<vmem>>, vector<1x16xf32>,
        %add3A_564 = arith.constant 128 : i32
        %add3A_565 = arith.addi %add3A_564, %scan3A_530 : i32
        %get3A_566 = arith.index_cast %add3A_565 : i32 to index
        %get3A_567 = arith.constant 48 : index
        %get3A_568 = tpu.vector_load %arg7[%get3A_566, %get3A_567] {strides = array<i32>} : memref<200x64xf32, #tpu.memory_space<vmem>>, vector<1x16xf32>,
        %get3A_569 = vector.shape_cast %get3A_568 : vector<1x16xf32> to vector<16xf32>
        %swap3A_570 = arith.index_cast %scan3A_530 : i32 to index
        %swap3A_571 = arith.constant 48 : index
        %swap3A_572 = tpu.vector_load %arg11[%swap3A_570, %swap3A_571] {strides = array<i32>} : memref<72x64xf32, #tpu.memory_space<vmem>>, vector<1x16xf32>,
        %swap3A_573 = vector.shape_cast %swap3A_572 : vector<1x16xf32> to vector<16xf32>
        %swap3A_574 = vector.shape_cast %get3A_569 : vector<16xf32> to vector<1x16xf32>
        tpu.vector_store %arg11[%swap3A_570, %swap3A_571], %swap3A_574 {add = true, strides = array<i32>} : memref<72x64xf32, #tpu.memory_space<vmem>>, vector<1x16xf32>,
      }
      %scan3A_247 = arith.constant 72 : i32
      %add3A_248 = arith.addi %mul3A_2, %select_n3A_235 : i32
      %dma_start3A_249 = arith.constant 128 : i32
      %dma_start3A_250 = arith.constant 0 : i32
      %dma_start3A_251 = tpu.memref_slice %arg5[%add3A_248, %dma_start3A_249, %dma_start3A_250] : memref<1024x200x64xf32, #tpu.memory_space<hbm>> -> memref<1x72x64xf32, #tpu.memory_space<hbm>>
      %dma_start3A_252 = tpu.memref_squeeze %dma_start3A_251 : memref<1x72x64xf32, #tpu.memory_space<hbm>> -> memref<72x64xf32, #tpu.memory_space<hbm>>
      %dma_start3A_253 = arith.constant 128 : i32
      %dma_start3A_254 = arith.constant 0 : i32
      %dma_start3A_255 = tpu.memref_slice %arg5[%add3A_248, %dma_start3A_253, %dma_start3A_254] : memref<1024x200x64xf32, #tpu.memory_space<hbm>> -> memref<1x72x64xf32, #tpu.memory_space<hbm>>
      %dma_start3A_256 = tpu.memref_squeeze %dma_start3A_255 : memref<1x72x64xf32, #tpu.memory_space<hbm>> -> memref<72x64xf32, #tpu.memory_space<hbm>>
      tpu.enqueue_dma source(%arg11 : memref<72x64xf32, #tpu.memory_space<vmem>>) target(%dma_start3A_256 : memref<72x64xf32, #tpu.memory_space<hbm>>) target_semaphore(%arg19 : memref<!tpu.dma_semaphore, #tpu.memory_space<semaphore_mem>>)
      %add3A_257 = arith.constant 0 : i32
      %add3A_258 = arith.addi %mul3A_76, %add3A_257 : i32
      %jit3A_259 = arith.constant 2 : i32
      %div3A_260 = arith.divsi %add3A_258, %jit3A_259 : i32
      %sign3A_261 = arith.constant 0 : i32
      %sign3A_262 = arith.cmpi sgt, %add3A_258, %sign3A_261 : i32
      %sign3A_263 = arith.extui %sign3A_262 : i1 to i32
      %sign3A_264 = arith.constant 0 : i32
      %sign3A_265 = arith.cmpi slt, %add3A_258, %sign3A_264 : i32
      %sign3A_266 = arith.extui %sign3A_265 : i1 to i32
      %sign3A_267 = arith.subi %sign3A_263, %sign3A_266 : i32
      %sign3A_268 = arith.constant 0 : i32
      %sign3A_269 = arith.cmpi sgt, %jit3A_259, %sign3A_268 : i32
      %sign3A_270 = arith.extui %sign3A_269 : i1 to i32
      %sign3A_271 = arith.constant 0 : i32
      %sign3A_272 = arith.cmpi slt, %jit3A_259, %sign3A_271 : i32
      %sign3A_273 = arith.extui %sign3A_272 : i1 to i32
      %sign3A_274 = arith.subi %sign3A_270, %sign3A_273 : i32
      %ne3A_275 = arith.cmpi ne, %sign3A_267, %sign3A_274 : i32
      %rem3A_276 = arith.remsi %add3A_258, %jit3A_259 : i32
      %ne3A_277 = arith.constant 0 : i32
      %ne3A_278 = arith.cmpi ne, %rem3A_276, %ne3A_277 : i32
      %and3A_279 = arith.andi %ne3A_275, %ne3A_278 : i1
      %sub3A_280 = arith.constant 1 : i32
      %sub3A_281 = arith.subi %div3A_260, %sub3A_280 : i32
      %select_n3A_282 = arith.select %and3A_279, %sub3A_281, %div3A_260 : i32
      %add3A_283 = arith.constant 0 : i32
      %add3A_284 = arith.addi %mul3A_76, %add3A_283 : i32
      %add3A_285 = arith.constant 4 : i32
      %add3A_286 = arith.addi %add3A_284, %add3A_285 : i32
      %lt3A = arith.constant 64 : i32
      %lt3A_287 = arith.cmpi slt, %add3A_286, %lt3A : i32
      %convert_element_type3A = arith.extui %lt3A_287 : i1 to i32
      %cond3A = arith.constant 0 : i32
      %cond3A_288 = arith.cmpi ne, %convert_element_type3A, %cond3A : i32
      scf.if %cond3A_288 {
        %add3A_394 = arith.addi %mul3A_2, %select_n3A_282 : i32
        %dma_wait3A_395 = arith.constant 0 : i32
        %dma_wait3A_396 = arith.constant 0 : i32
        %dma_wait3A_397 = tpu.memref_slice %arg5[%add3A_394, %dma_wait3A_395, %dma_wait3A_396] : memref<1024x200x64xf32, #tpu.memory_space<hbm>> -> memref<1x128x64xf32, #tpu.memory_space<hbm>>
        %dma_wait3A_398 = tpu.memref_squeeze %dma_wait3A_397 : memref<1x128x64xf32, #tpu.memory_space<hbm>> -> memref<128x64xf32, #tpu.memory_space<hbm>>
        %dma_wait3A_399 = arith.constant 0 : i32
        %dma_wait3A_400 = arith.constant 0 : i32
        %dma_wait3A_401 = tpu.memref_slice %arg5[%add3A_394, %dma_wait3A_399, %dma_wait3A_400] : memref<1024x200x64xf32, #tpu.memory_space<hbm>> -> memref<1x128x64xf32, #tpu.memory_space<hbm>>
        %dma_wait3A_402 = tpu.memref_squeeze %dma_wait3A_401 : memref<1x128x64xf32, #tpu.memory_space<hbm>> -> memref<128x64xf32, #tpu.memory_space<hbm>>
        tpu.wait_dma2 semaphore(%arg16 : memref<!tpu.dma_semaphore, #tpu.memory_space<semaphore_mem>>) src(%arg8 : memref<128x64xf32, #tpu.memory_space<vmem>>) dst(%dma_wait3A_402 : memref<128x64xf32, #tpu.memory_space<hbm>>)
        %add3A_403 = arith.constant 0 : i32
        %add3A_404 = arith.addi %mul3A_76, %add3A_403 : i32
        %add3A_405 = arith.constant 4 : i32
        %add3A_406 = arith.addi %add3A_404, %add3A_405 : i32
        %jit3A_407 = arith.constant 2 : i32
        %div3A_408 = arith.divsi %add3A_406, %jit3A_407 : i32
        %sign3A_409 = arith.constant 0 : i32
        %sign3A_410 = arith.cmpi sgt, %add3A_406, %sign3A_409 : i32
        %sign3A_411 = arith.extui %sign3A_410 : i1 to i32
        %sign3A_412 = arith.constant 0 : i32
        %sign3A_413 = arith.cmpi slt, %add3A_406, %sign3A_412 : i32
        %sign3A_414 = arith.extui %sign3A_413 : i1 to i32
        %sign3A_415 = arith.subi %sign3A_411, %sign3A_414 : i32
        %sign3A_416 = arith.constant 0 : i32
        %sign3A_417 = arith.cmpi sgt, %jit3A_407, %sign3A_416 : i32
        %sign3A_418 = arith.extui %sign3A_417 : i1 to i32
        %sign3A_419 = arith.constant 0 : i32
        %sign3A_420 = arith.cmpi slt, %jit3A_407, %sign3A_419 : i32
        %sign3A_421 = arith.extui %sign3A_420 : i1 to i32
        %sign3A_422 = arith.subi %sign3A_418, %sign3A_421 : i32
        %ne3A_423 = arith.cmpi ne, %sign3A_415, %sign3A_422 : i32
        %rem3A_424 = arith.remsi %add3A_406, %jit3A_407 : i32
        %ne3A_425 = arith.constant 0 : i32
        %ne3A_426 = arith.cmpi ne, %rem3A_424, %ne3A_425 : i32
        %and3A_427 = arith.andi %ne3A_423, %ne3A_426 : i1
        %sub3A_428 = arith.constant 1 : i32
        %sub3A_429 = arith.subi %div3A_408, %sub3A_428 : i32
        %select_n3A_430 = arith.select %and3A_427, %sub3A_429, %div3A_408 : i32
        %dma_start3A_431 = arith.constant 0 : i32
        %dma_start3A_432 = tpu.memref_slice %arg6[%select_n3A_430, %dma_start3A_431] : memref<32x200xi32, #tpu.memory_space<vmem>> -> memref<1x128xi32, #tpu.memory_space<vmem>>
        %dma_start3A_433 = tpu.memref_squeeze %dma_start3A_432 : memref<1x128xi32, #tpu.memory_space<vmem>> -> memref<128xi32, #tpu.memory_space<vmem>>
        %dma_start3A_434 = arith.constant 0 : i32
        %dma_start3A_435 = arith.constant 0 : i32
        %dma_start3A_436 = tpu.memref_slice %arg3[%dma_start3A_434, %dma_start3A_435] : memref<1000000x64xf32, #tpu.memory_space<hbm>> -> memref<1000000x64xf32, #tpu.memory_space<hbm>>
        tpu.enqueue_indirect_dma source(%dma_start3A_436 : memref<1000000x64xf32, #tpu.memory_space<hbm>>) target(%arg8 : memref<128x64xf32, #tpu.memory_space<vmem>>) offsets(%dma_start3A_433 : memref<128xi32, #tpu.memory_space<vmem>>) semaphore(%arg12 : memref<!tpu.dma_semaphore, #tpu.memory_space<semaphore_mem>>)
      } else {
      }
      %add3A_289 = arith.constant 1 : i32
      %add3A_290 = arith.addi %mul3A_76, %add3A_289 : i32
      %jit3A_291 = arith.constant 2 : i32
      %div3A_292 = arith.divsi %add3A_290, %jit3A_291 : i32
      %sign3A_293 = arith.constant 0 : i32
      %sign3A_294 = arith.cmpi sgt, %add3A_290, %sign3A_293 : i32
      %sign3A_295 = arith.extui %sign3A_294 : i1 to i32
      %sign3A_296 = arith.constant 0 : i32
      %sign3A_297 = arith.cmpi slt, %add3A_290, %sign3A_296 : i32
      %sign3A_298 = arith.extui %sign3A_297 : i1 to i32
      %sign3A_299 = arith.subi %sign3A_295, %sign3A_298 : i32
      %sign3A_300 = arith.constant 0 : i32
      %sign3A_301 = arith.cmpi sgt, %jit3A_291, %sign3A_300 : i32
      %sign3A_302 = arith.extui %sign3A_301 : i1 to i32
      %sign3A_303 = arith.constant 0 : i32
      %sign3A_304 = arith.cmpi slt, %jit3A_291, %sign3A_303 : i32
      %sign3A_305 = arith.extui %sign3A_304 : i1 to i32
      %sign3A_306 = arith.subi %sign3A_302, %sign3A_305 : i32
      %ne3A_307 = arith.cmpi ne, %sign3A_299, %sign3A_306 : i32
      %rem3A_308 = arith.remsi %add3A_290, %jit3A_291 : i32
      %ne3A_309 = arith.constant 0 : i32
      %ne3A_310 = arith.cmpi ne, %rem3A_308, %ne3A_309 : i32
      %and3A_311 = arith.andi %ne3A_307, %ne3A_310 : i1
      %sub3A_312 = arith.constant 1 : i32
      %sub3A_313 = arith.subi %div3A_292, %sub3A_312 : i32
      %select_n3A_314 = arith.select %and3A_311, %sub3A_313, %div3A_292 : i32
      %add3A_315 = arith.constant 1 : i32
      %add3A_316 = arith.addi %mul3A_76, %add3A_315 : i32
      %add3A_317 = arith.constant 4 : i32
      %add3A_318 = arith.addi %add3A_316, %add3A_317 : i32
      %lt3A_319 = arith.constant 64 : i32
      %lt3A_320 = arith.cmpi slt, %add3A_318, %lt3A_319 : i32
      %convert_element_type3A_321 = arith.extui %lt3A_320 : i1 to i32
      %cond3A_322 = arith.constant 0 : i32
      %cond3A_323 = arith.cmpi ne, %convert_element_type3A_321, %cond3A_322 : i32
      scf.if %cond3A_323 {
        %add3A_394 = arith.addi %mul3A_2, %select_n3A_314 : i32
        %dma_wait3A_395 = arith.constant 128 : i32
        %dma_wait3A_396 = arith.constant 0 : i32
        %dma_wait3A_397 = tpu.memref_slice %arg5[%add3A_394, %dma_wait3A_395, %dma_wait3A_396] : memref<1024x200x64xf32, #tpu.memory_space<hbm>> -> memref<1x72x64xf32, #tpu.memory_space<hbm>>
        %dma_wait3A_398 = tpu.memref_squeeze %dma_wait3A_397 : memref<1x72x64xf32, #tpu.memory_space<hbm>> -> memref<72x64xf32, #tpu.memory_space<hbm>>
        %dma_wait3A_399 = arith.constant 128 : i32
        %dma_wait3A_400 = arith.constant 0 : i32
        %dma_wait3A_401 = tpu.memref_slice %arg5[%add3A_394, %dma_wait3A_399, %dma_wait3A_400] : memref<1024x200x64xf32, #tpu.memory_space<hbm>> -> memref<1x72x64xf32, #tpu.memory_space<hbm>>
        %dma_wait3A_402 = tpu.memref_squeeze %dma_wait3A_401 : memref<1x72x64xf32, #tpu.memory_space<hbm>> -> memref<72x64xf32, #tpu.memory_space<hbm>>
        tpu.wait_dma2 semaphore(%arg17 : memref<!tpu.dma_semaphore, #tpu.memory_space<semaphore_mem>>) src(%arg9 : memref<72x64xf32, #tpu.memory_space<vmem>>) dst(%dma_wait3A_402 : memref<72x64xf32, #tpu.memory_space<hbm>>)
        %add3A_403 = arith.constant 1 : i32
        %add3A_404 = arith.addi %mul3A_76, %add3A_403 : i32
        %add3A_405 = arith.constant 4 : i32
        %add3A_406 = arith.addi %add3A_404, %add3A_405 : i32
        %jit3A_407 = arith.constant 2 : i32
        %div3A_408 = arith.divsi %add3A_406, %jit3A_407 : i32
        %sign3A_409 = arith.constant 0 : i32
        %sign3A_410 = arith.cmpi sgt, %add3A_406, %sign3A_409 : i32
        %sign3A_411 = arith.extui %sign3A_410 : i1 to i32
        %sign3A_412 = arith.constant 0 : i32
        %sign3A_413 = arith.cmpi slt, %add3A_406, %sign3A_412 : i32
        %sign3A_414 = arith.extui %sign3A_413 : i1 to i32
        %sign3A_415 = arith.subi %sign3A_411, %sign3A_414 : i32
        %sign3A_416 = arith.constant 0 : i32
        %sign3A_417 = arith.cmpi sgt, %jit3A_407, %sign3A_416 : i32
        %sign3A_418 = arith.extui %sign3A_417 : i1 to i32
        %sign3A_419 = arith.constant 0 : i32
        %sign3A_420 = arith.cmpi slt, %jit3A_407, %sign3A_419 : i32
        %sign3A_421 = arith.extui %sign3A_420 : i1 to i32
        %sign3A_422 = arith.subi %sign3A_418, %sign3A_421 : i32
        %ne3A_423 = arith.cmpi ne, %sign3A_415, %sign3A_422 : i32
        %rem3A_424 = arith.remsi %add3A_406, %jit3A_407 : i32
        %ne3A_425 = arith.constant 0 : i32
        %ne3A_426 = arith.cmpi ne, %rem3A_424, %ne3A_425 : i32
        %and3A_427 = arith.andi %ne3A_423, %ne3A_426 : i1
        %sub3A_428 = arith.constant 1 : i32
        %sub3A_429 = arith.subi %div3A_408, %sub3A_428 : i32
        %select_n3A_430 = arith.select %and3A_427, %sub3A_429, %div3A_408 : i32
        %dma_start3A_431 = arith.constant 128 : i32
        %dma_start3A_432 = tpu.memref_slice %arg6[%select_n3A_430, %dma_start3A_431] : memref<32x200xi32, #tpu.memory_space<vmem>> -> memref<1x72xi32, #tpu.memory_space<vmem>>
        %dma_start3A_433 = tpu.memref_squeeze %dma_start3A_432 : memref<1x72xi32, #tpu.memory_space<vmem>> -> memref<72xi32, #tpu.memory_space<vmem>>
        %dma_start3A_434 = arith.constant 0 : i32
        %dma_start3A_435 = arith.constant 0 : i32
        %dma_start3A_436 = tpu.memref_slice %arg3[%dma_start3A_434, %dma_start3A_435] : memref<1000000x64xf32, #tpu.memory_space<hbm>> -> memref<1000000x64xf32, #tpu.memory_space<hbm>>
        tpu.enqueue_indirect_dma source(%dma_start3A_436 : memref<1000000x64xf32, #tpu.memory_space<hbm>>) target(%arg9 : memref<72x64xf32, #tpu.memory_space<vmem>>) offsets(%dma_start3A_433 : memref<72xi32, #tpu.memory_space<vmem>>) semaphore(%arg13 : memref<!tpu.dma_semaphore, #tpu.memory_space<semaphore_mem>>)
      } else {
      }
      %add3A_324 = arith.constant 2 : i32
      %add3A_325 = arith.addi %mul3A_76, %add3A_324 : i32
      %jit3A_326 = arith.constant 2 : i32
      %div3A_327 = arith.divsi %add3A_325, %jit3A_326 : i32
      %sign3A_328 = arith.constant 0 : i32
      %sign3A_329 = arith.cmpi sgt, %add3A_325, %sign3A_328 : i32
      %sign3A_330 = arith.extui %sign3A_329 : i1 to i32
      %sign3A_331 = arith.constant 0 : i32
      %sign3A_332 = arith.cmpi slt, %add3A_325, %sign3A_331 : i32
      %sign3A_333 = arith.extui %sign3A_332 : i1 to i32
      %sign3A_334 = arith.subi %sign3A_330, %sign3A_333 : i32
      %sign3A_335 = arith.constant 0 : i32
      %sign3A_336 = arith.cmpi sgt, %jit3A_326, %sign3A_335 : i32
      %sign3A_337 = arith.extui %sign3A_336 : i1 to i32
      %sign3A_338 = arith.constant 0 : i32
      %sign3A_339 = arith.cmpi slt, %jit3A_326, %sign3A_338 : i32
      %sign3A_340 = arith.extui %sign3A_339 : i1 to i32
      %sign3A_341 = arith.subi %sign3A_337, %sign3A_340 : i32
      %ne3A_342 = arith.cmpi ne, %sign3A_334, %sign3A_341 : i32
      %rem3A_343 = arith.remsi %add3A_325, %jit3A_326 : i32
      %ne3A_344 = arith.constant 0 : i32
      %ne3A_345 = arith.cmpi ne, %rem3A_343, %ne3A_344 : i32
      %and3A_346 = arith.andi %ne3A_342, %ne3A_345 : i1
      %sub3A_347 = arith.constant 1 : i32
      %sub3A_348 = arith.subi %div3A_327, %sub3A_347 : i32
      %select_n3A_349 = arith.select %and3A_346, %sub3A_348, %div3A_327 : i32
      %add3A_350 = arith.constant 2 : i32
      %add3A_351 = arith.addi %mul3A_76, %add3A_350 : i32
      %add3A_352 = arith.constant 4 : i32
      %add3A_353 = arith.addi %add3A_351, %add3A_352 : i32
      %lt3A_354 = arith.constant 64 : i32
      %lt3A_355 = arith.cmpi slt, %add3A_353, %lt3A_354 : i32
      %convert_element_type3A_356 = arith.extui %lt3A_355 : i1 to i32
      %cond3A_357 = arith.constant 0 : i32
      %cond3A_358 = arith.cmpi ne, %convert_element_type3A_356, %cond3A_357 : i32
      scf.if %cond3A_358 {
        %add3A_394 = arith.addi %mul3A_2, %select_n3A_349 : i32
        %dma_wait3A_395 = arith.constant 0 : i32
        %dma_wait3A_396 = arith.constant 0 : i32
        %dma_wait3A_397 = tpu.memref_slice %arg5[%add3A_394, %dma_wait3A_395, %dma_wait3A_396] : memref<1024x200x64xf32, #tpu.memory_space<hbm>> -> memref<1x128x64xf32, #tpu.memory_space<hbm>>
        %dma_wait3A_398 = tpu.memref_squeeze %dma_wait3A_397 : memref<1x128x64xf32, #tpu.memory_space<hbm>> -> memref<128x64xf32, #tpu.memory_space<hbm>>
        %dma_wait3A_399 = arith.constant 0 : i32
        %dma_wait3A_400 = arith.constant 0 : i32
        %dma_wait3A_401 = tpu.memref_slice %arg5[%add3A_394, %dma_wait3A_399, %dma_wait3A_400] : memref<1024x200x64xf32, #tpu.memory_space<hbm>> -> memref<1x128x64xf32, #tpu.memory_space<hbm>>
        %dma_wait3A_402 = tpu.memref_squeeze %dma_wait3A_401 : memref<1x128x64xf32, #tpu.memory_space<hbm>> -> memref<128x64xf32, #tpu.memory_space<hbm>>
        tpu.wait_dma2 semaphore(%arg18 : memref<!tpu.dma_semaphore, #tpu.memory_space<semaphore_mem>>) src(%arg10 : memref<128x64xf32, #tpu.memory_space<vmem>>) dst(%dma_wait3A_402 : memref<128x64xf32, #tpu.memory_space<hbm>>)
        %add3A_403 = arith.constant 2 : i32
        %add3A_404 = arith.addi %mul3A_76, %add3A_403 : i32
        %add3A_405 = arith.constant 4 : i32
        %add3A_406 = arith.addi %add3A_404, %add3A_405 : i32
        %jit3A_407 = arith.constant 2 : i32
        %div3A_408 = arith.divsi %add3A_406, %jit3A_407 : i32
        %sign3A_409 = arith.constant 0 : i32
        %sign3A_410 = arith.cmpi sgt, %add3A_406, %sign3A_409 : i32
        %sign3A_411 = arith.extui %sign3A_410 : i1 to i32
        %sign3A_412 = arith.constant 0 : i32
        %sign3A_413 = arith.cmpi slt, %add3A_406, %sign3A_412 : i32
        %sign3A_414 = arith.extui %sign3A_413 : i1 to i32
        %sign3A_415 = arith.subi %sign3A_411, %sign3A_414 : i32
        %sign3A_416 = arith.constant 0 : i32
        %sign3A_417 = arith.cmpi sgt, %jit3A_407, %sign3A_416 : i32
        %sign3A_418 = arith.extui %sign3A_417 : i1 to i32
        %sign3A_419 = arith.constant 0 : i32
        %sign3A_420 = arith.cmpi slt, %jit3A_407, %sign3A_419 : i32
        %sign3A_421 = arith.extui %sign3A_420 : i1 to i32
        %sign3A_422 = arith.subi %sign3A_418, %sign3A_421 : i32
        %ne3A_423 = arith.cmpi ne, %sign3A_415, %sign3A_422 : i32
        %rem3A_424 = arith.remsi %add3A_406, %jit3A_407 : i32
        %ne3A_425 = arith.constant 0 : i32
        %ne3A_426 = arith.cmpi ne, %rem3A_424, %ne3A_425 : i32
        %and3A_427 = arith.andi %ne3A_423, %ne3A_426 : i1
        %sub3A_428 = arith.constant 1 : i32
        %sub3A_429 = arith.subi %div3A_408, %sub3A_428 : i32
        %select_n3A_430 = arith.select %and3A_427, %sub3A_429, %div3A_408 : i32
        %dma_start3A_431 = arith.constant 0 : i32
        %dma_start3A_432 = tpu.memref_slice %arg6[%select_n3A_430, %dma_start3A_431] : memref<32x200xi32, #tpu.memory_space<vmem>> -> memref<1x128xi32, #tpu.memory_space<vmem>>
        %dma_start3A_433 = tpu.memref_squeeze %dma_start3A_432 : memref<1x128xi32, #tpu.memory_space<vmem>> -> memref<128xi32, #tpu.memory_space<vmem>>
        %dma_start3A_434 = arith.constant 0 : i32
        %dma_start3A_435 = arith.constant 0 : i32
        %dma_start3A_436 = tpu.memref_slice %arg3[%dma_start3A_434, %dma_start3A_435] : memref<1000000x64xf32, #tpu.memory_space<hbm>> -> memref<1000000x64xf32, #tpu.memory_space<hbm>>
        tpu.enqueue_indirect_dma source(%dma_start3A_436 : memref<1000000x64xf32, #tpu.memory_space<hbm>>) target(%arg10 : memref<128x64xf32, #tpu.memory_space<vmem>>) offsets(%dma_start3A_433 : memref<128xi32, #tpu.memory_space<vmem>>) semaphore(%arg14 : memref<!tpu.dma_semaphore, #tpu.memory_space<semaphore_mem>>)
      } else {
      }
      %add3A_359 = arith.constant 3 : i32
      %add3A_360 = arith.addi %mul3A_76, %add3A_359 : i32
      %jit3A_361 = arith.constant 2 : i32
      %div3A_362 = arith.divsi %add3A_360, %jit3A_361 : i32
      %sign3A_363 = arith.constant 0 : i32
      %sign3A_364 = arith.cmpi sgt, %add3A_360, %sign3A_363 : i32
      %sign3A_365 = arith.extui %sign3A_364 : i1 to i32
      %sign3A_366 = arith.constant 0 : i32
      %sign3A_367 = arith.cmpi slt, %add3A_360, %sign3A_366 : i32
      %sign3A_368 = arith.extui %sign3A_367 : i1 to i32
      %sign3A_369 = arith.subi %sign3A_365, %sign3A_368 : i32
      %sign3A_370 = arith.constant 0 : i32
      %sign3A_371 = arith.cmpi sgt, %jit3A_361, %sign3A_370 : i32
      %sign3A_372 = arith.extui %sign3A_371 : i1 to i32
      %sign3A_373 = arith.constant 0 : i32
      %sign3A_374 = arith.cmpi slt, %jit3A_361, %sign3A_373 : i32
      %sign3A_375 = arith.extui %sign3A_374 : i1 to i32
      %sign3A_376 = arith.subi %sign3A_372, %sign3A_375 : i32
      %ne3A_377 = arith.cmpi ne, %sign3A_369, %sign3A_376 : i32
      %rem3A_378 = arith.remsi %add3A_360, %jit3A_361 : i32
      %ne3A_379 = arith.constant 0 : i32
      %ne3A_380 = arith.cmpi ne, %rem3A_378, %ne3A_379 : i32
      %and3A_381 = arith.andi %ne3A_377, %ne3A_380 : i1
      %sub3A_382 = arith.constant 1 : i32
      %sub3A_383 = arith.subi %div3A_362, %sub3A_382 : i32
      %select_n3A_384 = arith.select %and3A_381, %sub3A_383, %div3A_362 : i32
      %add3A_385 = arith.constant 3 : i32
      %add3A_386 = arith.addi %mul3A_76, %add3A_385 : i32
      %add3A_387 = arith.constant 4 : i32
      %add3A_388 = arith.addi %add3A_386, %add3A_387 : i32
      %lt3A_389 = arith.constant 64 : i32
      %lt3A_390 = arith.cmpi slt, %add3A_388, %lt3A_389 : i32
      %convert_element_type3A_391 = arith.extui %lt3A_390 : i1 to i32
      %cond3A_392 = arith.constant 0 : i32
      %cond3A_393 = arith.cmpi ne, %convert_element_type3A_391, %cond3A_392 : i32
      scf.if %cond3A_393 {
        %add3A_394 = arith.addi %mul3A_2, %select_n3A_384 : i32
        %dma_wait3A_395 = arith.constant 128 : i32
        %dma_wait3A_396 = arith.constant 0 : i32
        %dma_wait3A_397 = tpu.memref_slice %arg5[%add3A_394, %dma_wait3A_395, %dma_wait3A_396] : memref<1024x200x64xf32, #tpu.memory_space<hbm>> -> memref<1x72x64xf32, #tpu.memory_space<hbm>>
        %dma_wait3A_398 = tpu.memref_squeeze %dma_wait3A_397 : memref<1x72x64xf32, #tpu.memory_space<hbm>> -> memref<72x64xf32, #tpu.memory_space<hbm>>
        %dma_wait3A_399 = arith.constant 128 : i32
        %dma_wait3A_400 = arith.constant 0 : i32
        %dma_wait3A_401 = tpu.memref_slice %arg5[%add3A_394, %dma_wait3A_399, %dma_wait3A_400] : memref<1024x200x64xf32, #tpu.memory_space<hbm>> -> memref<1x72x64xf32, #tpu.memory_space<hbm>>
        %dma_wait3A_402 = tpu.memref_squeeze %dma_wait3A_401 : memref<1x72x64xf32, #tpu.memory_space<hbm>> -> memref<72x64xf32, #tpu.memory_space<hbm>>
        tpu.wait_dma2 semaphore(%arg19 : memref<!tpu.dma_semaphore, #tpu.memory_space<semaphore_mem>>) src(%arg11 : memref<72x64xf32, #tpu.memory_space<vmem>>) dst(%dma_wait3A_402 : memref<72x64xf32, #tpu.memory_space<hbm>>)
        %add3A_403 = arith.constant 3 : i32
        %add3A_404 = arith.addi %mul3A_76, %add3A_403 : i32
        %add3A_405 = arith.constant 4 : i32
        %add3A_406 = arith.addi %add3A_404, %add3A_405 : i32
        %jit3A_407 = arith.constant 2 : i32
        %div3A_408 = arith.divsi %add3A_406, %jit3A_407 : i32
        %sign3A_409 = arith.constant 0 : i32
        %sign3A_410 = arith.cmpi sgt, %add3A_406, %sign3A_409 : i32
        %sign3A_411 = arith.extui %sign3A_410 : i1 to i32
        %sign3A_412 = arith.constant 0 : i32
        %sign3A_413 = arith.cmpi slt, %add3A_406, %sign3A_412 : i32
        %sign3A_414 = arith.extui %sign3A_413 : i1 to i32
        %sign3A_415 = arith.subi %sign3A_411, %sign3A_414 : i32
        %sign3A_416 = arith.constant 0 : i32
        %sign3A_417 = arith.cmpi sgt, %jit3A_407, %sign3A_416 : i32
        %sign3A_418 = arith.extui %sign3A_417 : i1 to i32
        %sign3A_419 = arith.constant 0 : i32
        %sign3A_420 = arith.cmpi slt, %jit3A_407, %sign3A_419 : i32
        %sign3A_421 = arith.extui %sign3A_420 : i1 to i32
        %sign3A_422 = arith.subi %sign3A_418, %sign3A_421 : i32
        %ne3A_423 = arith.cmpi ne, %sign3A_415, %sign3A_422 : i32
        %rem3A_424 = arith.remsi %add3A_406, %jit3A_407 : i32
        %ne3A_425 = arith.constant 0 : i32
        %ne3A_426 = arith.cmpi ne, %rem3A_424, %ne3A_425 : i32
        %and3A_427 = arith.andi %ne3A_423, %ne3A_426 : i1
        %sub3A_428 = arith.constant 1 : i32
        %sub3A_429 = arith.subi %div3A_408, %sub3A_428 : i32
        %select_n3A_430 = arith.select %and3A_427, %sub3A_429, %div3A_408 : i32
        %dma_start3A_431 = arith.constant 128 : i32
        %dma_start3A_432 = tpu.memref_slice %arg6[%select_n3A_430, %dma_start3A_431] : memref<32x200xi32, #tpu.memory_space<vmem>> -> memref<1x72xi32, #tpu.memory_space<vmem>>
        %dma_start3A_433 = tpu.memref_squeeze %dma_start3A_432 : memref<1x72xi32, #tpu.memory_space<vmem>> -> memref<72xi32, #tpu.memory_space<vmem>>
        %dma_start3A_434 = arith.constant 0 : i32
        %dma_start3A_435 = arith.constant 0 : i32
        %dma_start3A_436 = tpu.memref_slice %arg3[%dma_start3A_434, %dma_start3A_435] : memref<1000000x64xf32, #tpu.memory_space<hbm>> -> memref<1000000x64xf32, #tpu.memory_space<hbm>>
        tpu.enqueue_indirect_dma source(%dma_start3A_436 : memref<1000000x64xf32, #tpu.memory_space<hbm>>) target(%arg11 : memref<72x64xf32, #tpu.memory_space<vmem>>) offsets(%dma_start3A_433 : memref<72xi32, #tpu.memory_space<vmem>>) semaphore(%arg15 : memref<!tpu.dma_semaphore, #tpu.memory_space<semaphore_mem>>)
      } else {
      }
    }
    %scan3A_34 = arith.constant 16 : i32
    %add3A_35 = arith.constant 30 : i32
    %add3A_36 = arith.addi %mul3A_2, %add3A_35 : i32
    %dma_wait3A = arith.constant 0 : i32
    %dma_wait3A_37 = arith.constant 0 : i32
    %dma_wait3A_38 = tpu.memref_slice %arg5[%add3A_36, %dma_wait3A, %dma_wait3A_37] : memref<1024x200x64xf32, #tpu.memory_space<hbm>> -> memref<1x128x64xf32, #tpu.memory_space<hbm>>
    %dma_wait3A_39 = tpu.memref_squeeze %dma_wait3A_38 : memref<1x128x64xf32, #tpu.memory_space<hbm>> -> memref<128x64xf32, #tpu.memory_space<hbm>>
    %dma_wait3A_40 = arith.constant 0 : i32
    %dma_wait3A_41 = arith.constant 0 : i32
    %dma_wait3A_42 = tpu.memref_slice %arg5[%add3A_36, %dma_wait3A_40, %dma_wait3A_41] : memref<1024x200x64xf32, #tpu.memory_space<hbm>> -> memref<1x128x64xf32, #tpu.memory_space<hbm>>
    %dma_wait3A_43 = tpu.memref_squeeze %dma_wait3A_42 : memref<1x128x64xf32, #tpu.memory_space<hbm>> -> memref<128x64xf32, #tpu.memory_space<hbm>>
    tpu.wait_dma2 semaphore(%arg16 : memref<!tpu.dma_semaphore, #tpu.memory_space<semaphore_mem>>) src(%arg8 : memref<128x64xf32, #tpu.memory_space<vmem>>) dst(%dma_wait3A_43 : memref<128x64xf32, #tpu.memory_space<hbm>>)
    %add3A_44 = arith.constant 30 : i32
    %add3A_45 = arith.addi %mul3A_2, %add3A_44 : i32
    %dma_wait3A_46 = arith.constant 128 : i32
    %dma_wait3A_47 = arith.constant 0 : i32
    %dma_wait3A_48 = tpu.memref_slice %arg5[%add3A_45, %dma_wait3A_46, %dma_wait3A_47] : memref<1024x200x64xf32, #tpu.memory_space<hbm>> -> memref<1x72x64xf32, #tpu.memory_space<hbm>>
    %dma_wait3A_49 = tpu.memref_squeeze %dma_wait3A_48 : memref<1x72x64xf32, #tpu.memory_space<hbm>> -> memref<72x64xf32, #tpu.memory_space<hbm>>
    %dma_wait3A_50 = arith.constant 128 : i32
    %dma_wait3A_51 = arith.constant 0 : i32
    %dma_wait3A_52 = tpu.memref_slice %arg5[%add3A_45, %dma_wait3A_50, %dma_wait3A_51] : memref<1024x200x64xf32, #tpu.memory_space<hbm>> -> memref<1x72x64xf32, #tpu.memory_space<hbm>>
    %dma_wait3A_53 = tpu.memref_squeeze %dma_wait3A_52 : memref<1x72x64xf32, #tpu.memory_space<hbm>> -> memref<72x64xf32, #tpu.memory_space<hbm>>
    tpu.wait_dma2 semaphore(%arg17 : memref<!tpu.dma_semaphore, #tpu.memory_space<semaphore_mem>>) src(%arg9 : memref<72x64xf32, #tpu.memory_space<vmem>>) dst(%dma_wait3A_53 : memref<72x64xf32, #tpu.memory_space<hbm>>)
    %add3A_54 = arith.constant 31 : i32
    %add3A_55 = arith.addi %mul3A_2, %add3A_54 : i32
    %dma_wait3A_56 = arith.constant 0 : i32
    %dma_wait3A_57 = arith.constant 0 : i32
    %dma_wait3A_58 = tpu.memref_slice %arg5[%add3A_55, %dma_wait3A_56, %dma_wait3A_57] : memref<1024x200x64xf32, #tpu.memory_space<hbm>> -> memref<1x128x64xf32, #tpu.memory_space<hbm>>
    %dma_wait3A_59 = tpu.memref_squeeze %dma_wait3A_58 : memref<1x128x64xf32, #tpu.memory_space<hbm>> -> memref<128x64xf32, #tpu.memory_space<hbm>>
    %dma_wait3A_60 = arith.constant 0 : i32
    %dma_wait3A_61 = arith.constant 0 : i32
    %dma_wait3A_62 = tpu.memref_slice %arg5[%add3A_55, %dma_wait3A_60, %dma_wait3A_61] : memref<1024x200x64xf32, #tpu.memory_space<hbm>> -> memref<1x128x64xf32, #tpu.memory_space<hbm>>
    %dma_wait3A_63 = tpu.memref_squeeze %dma_wait3A_62 : memref<1x128x64xf32, #tpu.memory_space<hbm>> -> memref<128x64xf32, #tpu.memory_space<hbm>>
    tpu.wait_dma2 semaphore(%arg18 : memref<!tpu.dma_semaphore, #tpu.memory_space<semaphore_mem>>) src(%arg10 : memref<128x64xf32, #tpu.memory_space<vmem>>) dst(%dma_wait3A_63 : memref<128x64xf32, #tpu.memory_space<hbm>>)
    %add3A_64 = arith.constant 31 : i32
    %add3A_65 = arith.addi %mul3A_2, %add3A_64 : i32
    %dma_wait3A_66 = arith.constant 128 : i32
    %dma_wait3A_67 = arith.constant 0 : i32
    %dma_wait3A_68 = tpu.memref_slice %arg5[%add3A_65, %dma_wait3A_66, %dma_wait3A_67] : memref<1024x200x64xf32, #tpu.memory_space<hbm>> -> memref<1x72x64xf32, #tpu.memory_space<hbm>>
    %dma_wait3A_69 = tpu.memref_squeeze %dma_wait3A_68 : memref<1x72x64xf32, #tpu.memory_space<hbm>> -> memref<72x64xf32, #tpu.memory_space<hbm>>
    %dma_wait3A_70 = arith.constant 128 : i32
    %dma_wait3A_71 = arith.constant 0 : i32
    %dma_wait3A_72 = tpu.memref_slice %arg5[%add3A_65, %dma_wait3A_70, %dma_wait3A_71] : memref<1024x200x64xf32, #tpu.memory_space<hbm>> -> memref<1x72x64xf32, #tpu.memory_space<hbm>>
    %dma_wait3A_73 = tpu.memref_squeeze %dma_wait3A_72 : memref<1x72x64xf32, #tpu.memory_space<hbm>> -> memref<72x64xf32, #tpu.memory_space<hbm>>
    tpu.wait_dma2 semaphore(%arg19 : memref<!tpu.dma_semaphore, #tpu.memory_space<semaphore_mem>>) src(%arg11 : memref<72x64xf32, #tpu.memory_space<vmem>>) dst(%dma_wait3A_73 : memref<72x64xf32, #tpu.memory_space<hbm>>)
    return
  }
}

</mosaic_0001>

<sc_bundles>
// kernel: kernel.3.cloned.1.call-start
scs
__scs_entry_jumppad:
0x0: {  	(pc) =	sbr.rel $0x88, $3  }
0x1: {  	(tag) =	ssettag $0x0;
	lr =	simm.s32 $0x1  }
0x2: {  	[smem:$0x3F9E] =	sst lr;
	_ =	strace $0xD0000000  }
0x3: {  	_ = 	snop  }
0x4: {  	_ = 	snop  }
0x5: {  	_ = 	snop  }
0x6: {  	_ = 	snop  }
0x7: {  	_ = 	snop  }
__scs_overlays_trampoline_lowered:
0x8: {  	[smem:$0x3FAD] =	sst s0  }
0x9: {  	[smem:$0x3FAE] =	sst s1  }
0xa: {  	[smem:$0x3FAF] =	sst s2  }
0xb: {  	[smem:$0x3FB0] =	sst s3  }
0xc: {  	[smem:$0x3FB1] =	sst s4  }
0xd: {  	[smem:$0x3FB2] =	sst s5  }
0xe: {  	[smem:$0x3FB3] =	sst s6  }
0xf: {  	[smem:$0x3FB4] =	sst s7  }
0x10: {  	[smem:$0x3FB5] =	sst s8  }
0x11: {  	[smem:$0x3FB6] =	sst s9;
	s0 =	simm.s32 @!p0 $0x0  }
0x12: {  	s1 =	sld [smem:$0x3F9C];
	s0 =	simm.s32 @p0 $0x1  }
0x13: {  	[smem:$0x3FB7] =	sst s0;
	s0 =	simm.s32 @!p1 $0x0  }
0x14: {  	s2 =	sld [smem:$0x3F9B];
	s0 =	simm.s32 @p1 $0x1  }
0x15: {  	[smem:$0x3FB8] =	sst s0;
	s0 =	simm.s32 @!p2 $0x0  }
0x16: {  	s3 =	sld [smem:$0x3FDB];
	s0 =	simm.s32 @p2 $0x1  }
0x17: {  	s4 =	simm.s32 $0x1BF5;
	[smem:$0x3FBA] =	sst s0  }
0x18: {  	s0 =	sld [smem:$0x3F9D];
	_ =	swait.ge [sflag:s4], $0x0  }
0x19: {  	s7 =	sld [smem:$0x3F9E]  }
0x1a: {  	s8 =	sadd.s32 $0xFFFFE003, lr  }
0x1b: {  	s9 =	sadd.s32 $0xFFFFFEF7, lr;
	s5 =	simm.s32 $0xFFFFFFFF;
	p2 =	slt.u32 s8, $0xFFFFF086  }
0x1c: {  	p1 =	slt.u32 s9, $0xF7A;
	s5 =	simm.s32 @!p2 $0x0  }
0x1d: {  	s5 =	simm.s32 @p1 $0x1;
	p0 =	seq.s32 s7, s2  }
0x1e: {  	s7 =	smul.u32 @!p0 $0xF7A, s2;
	p2 =	seq.s32 @!p0 s5, $0x0  }
0x1f: {  	s9 =	smul.u32 $0xF7A, s1;
	s8 =	simm.s32 @!p0 $0x1BF5;
	p2 =	por !p2, p0  }
0x20: {  	[sflag:s8] =	ssyncset.s32 @!p0 $0xFFFFF086;
	s6 =	sadd.s32 @!p0 s3, s7;
	s7 =	simm.s32 @!p0 $0x108  }
0x21: {  	s3 =	sadd.s32 s3, s9;
	s6 =	sadd.s32 @!p0 $0x88, s6;
	s7 =	simm.s32 @p2 $0x1082  }
0x22: {  	[simem:s7], [sflag:s8] =	dma.local @!p0 [hbm:s6], $0xF7A  }
0x23: {  	s9 =	sor.u32 $0xD0000000, s2;
	s6 =	simm.s32 $0x108;
	_ =	swait.ge @!p0 [sflag:s8], $0x0  }
0x24: {  	s3 =	sadd.s32 $0x88, s3;
	s6 =	simm.s32 @!p1 $0x1082;
	[sflag:s4] =	ssyncset.s32 $0xFFFFF086  }
0x25: {  	[simem:s6], [sflag:s4] =	dma.local [hbm:s3], $0xF7A  }
0x26: {  	[smem:$0x3F9E] =	sst s1;
	(tag) =	ssettag s2;
	_ =	strace s9  }
0x27: {  	s1 =	sld [smem:$0x3FAE]  }
0x28: {  	s2 =	sld [smem:$0x3FAF]  }
0x29: {  	s4 =	sld [smem:$0x3FB1]  }
0x2a: {  	p0 =	seq.s32 s5, $0x0;
	s5 =	sld [smem:$0x3FB2]  }
0x2b: {  	s6 =	sld [smem:$0x3FB3]  }
0x2c: {  	s7 =	sld [smem:$0x3FB4]  }
0x2d: {  	s3 =	simm.s32 $0x108;
	s8 =	sld [smem:$0x3FB5]  }
0x2e: {  	s3 =	simm.s32 @!p0 $0x1082;
	s9 =	sld [smem:$0x3FB6]  }
0x2f: {  	lr =	sadd.s32 s0, s3;
	s0 =	sld [smem:$0x3FAD]  }
0x30: {  	s3 =	sld [smem:$0x3FB0]  }
0x31: {  	[smem:$0x3FB9] =	sst s10  }
0x32: {  	s10 =	sld [smem:$0x3FB7];
	_ =	sdelay $0x3  }
0x33: {  	p0 =	seq.s32 s10, $0x1;
	s10 =	sld [smem:$0x3FB9];
	_ =	sdelay $0x3  }
0x34: {  	[smem:$0x3FB9] =	sst s10  }
0x35: {  	s10 =	sld [smem:$0x3FB8];
	_ =	sdelay $0x3  }
0x36: {  	p1 =	seq.s32 s10, $0x1;
	s10 =	sld [smem:$0x3FB9];
	_ =	sdelay $0x3  }
0x37: {  	[smem:$0x3FB9] =	sst s10  }
0x38: {  	s10 =	sld [smem:$0x3FBA]  }
0x39: {  	_ = 	snop;
	(pc) =	sbr.ind lr, $3  }
0x3a: {  	_ = 	snop  }
0x3b: {  	_ = 	snop  }
0x3c: {  	p2 =	seq.s32 s10, $0x1;
	s10 =	sld [smem:$0x3FB9]  }
0x3d: {  	_ =	shalt  }
0x3e: {  	_ =	shalt  }
0x3f: {  	_ =	shalt  }
0x40: {  	_ =	shalt  }
0x41: {  	_ =	shalt  }
0x42: {  	_ =	shalt  }
0x43: {  	_ =	shalt  }
0x44: {  	_ =	shalt  }
0x45: {  	_ =	shalt  }
0x46: {  	_ =	shalt  }
0x47: {  	_ =	shalt  }
0x48: {  	_ =	shalt  }
0x49: {  	_ =	shalt  }
0x4a: {  	_ =	shalt  }
0x4b: {  	_ =	shalt  }
0x4c: {  	_ =	shalt  }
0x4d: {  	_ =	shalt  }
0x4e: {  	_ =	shalt  }
0x4f: {  	_ =	shalt  }
0x50: {  	_ =	shalt  }
0x51: {  	_ =	shalt  }
0x52: {  	_ =	shalt  }
0x53: {  	_ =	shalt  }
0x54: {  	_ =	shalt  }
0x55: {  	_ =	shalt  }
0x56: {  	_ =	shalt  }
0x57: {  	_ =	shalt  }
0x58: {  	_ =	shalt  }
0x59: {  	_ =	shalt  }
0x5a: {  	_ =	shalt  }
0x5b: {  	_ =	shalt  }
0x5c: {  	_ =	shalt  }
0x5d: {  	_ =	shalt  }
0x5e: {  	_ =	shalt  }
0x5f: {  	_ =	shalt  }
0x60: {  	_ =	shalt  }
0x61: {  	_ =	shalt  }
0x62: {  	_ =	shalt  }
0x63: {  	_ =	shalt  }
0x64: {  	_ =	shalt  }
0x65: {  	_ =	shalt  }
0x66: {  	_ =	shalt  }
0x67: {  	_ =	shalt  }
0x68: {  	_ =	shalt  }
0x69: {  	_ =	shalt  }
0x6a: {  	_ =	shalt  }
0x6b: {  	_ =	shalt  }
0x6c: {  	_ =	shalt  }
0x6d: {  	_ =	shalt  }
0x6e: {  	_ =	shalt  }
0x6f: {  	_ =	shalt  }
0x70: {  	_ =	shalt  }
0x71: {  	_ =	shalt  }
0x72: {  	_ =	shalt  }
0x73: {  	_ =	shalt  }
0x74: {  	_ =	shalt  }
0x75: {  	_ =	shalt  }
0x76: {  	_ =	shalt  }
0x77: {  	_ =	shalt  }
0x78: {  	_ =	shalt  }
0x79: {  	_ =	shalt  }
0x7a: {  	_ =	shalt  }
0x7b: {  	_ =	shalt  }
0x7c: {  	_ =	shalt  }
0x7d: {  	_ =	shalt  }
0x7e: {  	_ =	shalt  }
0x7f: {  	_ =	shalt  }
0x80: {  	_ =	shalt  }
0x81: {  	_ =	shalt  }
0x82: {  	_ =	shalt  }
0x83: {  	_ =	shalt  }
0x84: {  	_ =	shalt  }
0x85: {  	_ =	shalt  }
0x86: {  	_ =	shalt  }
0x87: {  	_ =	shalt  }
.Lfunc_end0:
.L_simem_size_0:
called_computation.1_lowered:
.L_overlay_start_0:
0x88: {  	s2 =	sld [smem:$0x3FD9]  }
0x89: {  	s3 =	sld [smem:$0x3FFE];
	_ =	sdelay $0x1  }
0x8a: {  	s1 =	srdreg.scid  }
0x8b: {  	s0 =	sand.u32 $0x1, s1  }
0x8c: {  	s17 =	sshll.u32 s0, $0xA;
	s2 =	sadd.s32 s3, s2  }
0x8d: {  	s2 =	sadd.s32 s2, s17  }
0x8e: {  	[smem:$0x3FC5] =	sst s2  }
0x8f: {  	_ = 	snop  }
0x90: {  	s2 =	sld [smem:$0x3FD0];
	(tm) =	ssettm $0x1  }
0x91: {  	s18 =	sld [smem:$0x3FFB];
	_ =	sdelay $0x3  }
0x92: {  	_ =	strace s18  }
0x93: {  	s3 =	sld [smem:$0x3FFC];
	_ =	sdelay $0x3  }
0x94: {  	_ =	strace s3  }
0x95: {  	s3 =	sld [smem:$0x3FFD];
	_ =	sdelay $0x3  }
0x96: {  	_ =	strace s3  }
0x97: {  	_ =	strace $0x8FFFFFFF  }
0x98: {  	s19 =	sld [smem:$0x3FDB];
	_ =	sdelay $0x1  }
0x99: {  	s4 =	simm.s32 $_scs_section_size  }
0x9a: {  	s5 =	simm.s32 $_size__tile_overlayer_lowered;
	s6 =	simm.s32 $_tile_overlayer_lowered  }
0x9b: {  	s22 =	simm.s32 $0x1BFF;
	s21 =	sshll.u32 s6, $0x1;
	s3 =	sadd.s32 s4, s19  }
0x9c: {  	s7 =	simm.s32 $0x0;
	s20 =	sshll.u32 s5, $0x1;
	s5 =	sadd.s32 s21, s3  }
0x9d: {  	[timem:s7], [sflag:s22] =	dma.local [hbm:s5], s20  }
0x9e: {  	_ =	swait.ge [sflag:s22], s20  }
0x9f: {  	s4 =	ssub.s32 $0x0, s20;
	[sflag:s22] =	ssyncset.done $0x0  }
0xa0: {  	[sflag:s22] =	ssyncadd.s32 s4;
	_ =	sdelay $0x1  }
0xa1: {  	s23 =	simm.s32 $0x1B8B  }
0xa2: {  	_ =	swait.ge [sflag:s23], $0x1  }
0xa3: {  	[sflag:s23] =	ssyncset.done $0x0  }
0xa4: {  	s25 =	simm.s32 $0x1B8E;
	s24 =	sld [smem:$0x3FFE];
	[sflag:s23] =	ssyncadd.s32 $0xFFFFFFFF  }
0xa5: {  	s26 =	simm.s32 $execute0_lowered;
	[smem:$0x3FD2] =	sst s25  }
0xa6: {  	s5 =	sshll.u32 s26, $0x1;
	_ =	strace $0x80000046;
	[dreg:$0x1] =	wrdreg $0xFFFFFFFF  }
0xa7: {  	s28 =	simm.s32 $_size_execute0_lowered;
	s3 =	sadd.s32 s3, s5;
	[dreg:$0x0] =	wrdreg $0x0  }
0xa8: {  	s5 =	sshll.u32 s28, $0x1;
	[dreg:$0x2] =	wrdreg s3  }
0xa9: {  	[dreg:$0x3] =	wrdreg s5  }
0xaa: {  	[dreg:$0x4] =	wrdreg $0xC0  }
0xab: {  	_ =	task [dreg:s7], $0x5FFFF  }
0xac: {  	[dreg:$0x1] =	wrdreg $0xFFFFFFFF  }
0xad: {  	[dreg:$0x0] =	wrdreg $0x60  }
0xae: {  	[dreg:$0x2] =	wrdreg s24  }
0xaf: {  	[dreg:$0x3] =	wrdreg s2  }
0xb0: {  	[dreg:$0x4] =	wrdreg $0x9  }
0xb1: {  	_ =	task.clear_ibuf [dreg:s7], $0x5FFFF;
	_ =	strace $0x90000046  }
0xb2: {  	s29 =	simm.s32 $0x9;
	_ =	strace $0x80000048  }
0xb3: {  	_ =	swait.ge [sflag:s29], $0x1  }
0xb4: {  	[sflag:s29] =	ssyncadd.s32 $0xFFFFFFFF  }
0xb5: {  	_ =	strace $0x90000048  }
0xb6: {  	_ =	sfence  }
0xb7: {  	s30 =	sld [smem:$0x0];
	_ =	sdelay $0x2  }
0xb8: {  	s31 =	sshll.u32 s1, $0xD;
	s1 =	sshrl.u32 s1, $0x2  }
0xb9: {  	s3 =	sand.u32 $0x4000, s31;
	s1 =	sadd.s32 s1, s30  }
0xba: {  	s0 =	sor.u32 s3, s0;
	s1 =	sshll.u32 s1, $0x11  }
0xbb: {  	s0 =	sor.u32 s1, s0  }
0xbc: {  	s0 =	sadd.s32 $0x8F2B, s0  }
0xbd: {  	[sflag:s0] =	ssyncadd.remote.s32 $0x1  }
0xbe: {  	_ =	sfence.sel $0xFFFF  }
0xbf: {  	[dreg:$0x0] =	wrdreg $0xFFFFFFFF;
	(pc) =	sbr.abs _section_cstart, $3  }
0xc0: {  	[dreg:$0x1] =	wrdreg $0xFFFFFFFF  }
0xc1: {  	_ =	task.clear_ibuf [dreg:s7], $0x2FFFF;
	_ =	strace $0x9FFFFFFF  }
0xc2: {  	(tm) =	ssettm $0x7FFFFFFF  }
0xc3: {  	_ =	shalt  }
tec
execute0_lowered:
.L_overlay_start_1:
0x0: {  	(tag) =	ssettag $0x1  }
0x1: {  	s0 =	srdreg.scid  }
0x2: {  	s2 =	stileid.u32;
	s1 =	rddreg [dreg:$0x0];
	s9 =	simm.s32 $0x9  }
0x3: {  	s10 =	simm.s32 $0x1900;
	s11 =	simm.s32 $0x80;
	s12 =	simm.s32 $0x4B00  }
0x4: {  	s13 =	simm.s32 $0x48;
	s14 =	simm.s32 $0x6B00;
	s15 =	simm.s32 $0xC8  }
0x5: {  	s16 =	simm.s32 $0x7D00;
	s17 =	simm.s32 $0x148;
	s18 =	simm.s32 $0x9D00  }
0x6: {  	s19 =	simm.s32 $0x1;
	s20 =	simm.s32 $0x2;
	s21 =	simm.s32 $0x3  }
0x7: {  	s22 =	simm.s32 $0x4;
	s23 =	simm.s32 $0x5;
	s24 =	simm.s32 $0x6  }
0x8: {  	s25 =	simm.s32 $0x7;
	s26 =	simm.s32 $0x8;
	s0 =	sand.u32 $0x1, s0  }
0x9: {  	s28 =	simm.s32 $0x0;
	s3 =	sshll.u32 s2, $0x6;
	s4 =	sshll.u32 s0, $0x5  }
.Ltmp0:
0xa: {  	s2 =	rddreg [dreg:$0x1];
	s3 =	sor.u32 s4, s3;
	(pc) =	sbr.rel .LBB2_1-.Ltmp0, $4  }
0xb: {  	s0 =	ssub.s32 $0x2, s0;
	s4 =	simm.s32 $0x0;
	s5 =	smul.u32 $0x19, s3  }
0xc: {  	s6 =	sadd.s32 $0x7000, s1;
	s8 =	sshrl.u32 s0, $0x1;
	[smem:$0x7FF] =	sst s4  }
0xd: {  	s0 =	ssub.s32 s0, s8;
	_ =	strace $0x80000047;
	s7 =	sadd.s32 s5, s1  }
0xe: {  	s8 =	smax.u32 s0, $0x1;
	s5 =	sadd.s32 $0xF43000, s1;
	s7 =	sadd.s32 $0xC00, s7  }
.LBB2_12:
0xf: {  	_ =	swait.ge [sflag:s23], $0x2000  }
0x10: {  	[sflag:s23] =	ssyncset.done $0x0  }
0x11: {  	[sflag:s23] =	ssyncadd.s32 $0xFFFFE000  }
0x12: {  	_ =	swait.ge [sflag:s24], $0x1200  }
0x13: {  	[sflag:s24] =	ssyncset.done $0x0  }
0x14: {  	s28 =	sadd.s32 $0x1, s28;
	[sflag:s24] =	ssyncadd.s32 $0xFFFFEE00  }
0x15: {  	p0 =	sne.s32 s28, s8;
	_ =	swait.ge [sflag:s25], $0x2000  }
.Ltmp1:
0x16: {  	[sflag:s25] =	ssyncset.done $0x0;
	(pc) =	sbr.rel @!p0 .LBB2_13-.Ltmp1, $4  }
0x17: {  	[sflag:s25] =	ssyncadd.s32 $0xFFFFE000  }
0x18: {  	_ =	swait.ge [sflag:s26], $0x1200  }
0x19: {  	[sflag:s26] =	ssyncset.done $0x0  }
0x1a: {  	[sflag:s26] =	ssyncadd.s32 $0xFFFFEE00  }
.LBB2_1:
0x1b: {  	[tilespmem:s4], [sflag:$0x9] =	stream.linear.gather [hbm4b:s7+s4], $0x1900, $0x38;
	[tilespmem:$0xAF00] =	vst v63  }
0x1c: {  	_ =	swait.ge [sflag:s9], $0x1900  }
0x1d: {  	[sflag:s9] =	ssyncset.done $0x0  }
0x1e: {  	[sflag:s9] =	ssyncadd.s32 $0xFFFFE700  }
0x1f: {  	[tilespmem:s10], [sflag:$0x9] =	stream.linear.gather [hbm4b:s6+s4], $0x3200, $0x38;
	[tilespmem:$0xAF00] =	vst v63  }
0x20: {  	_ =	swait.ge [sflag:s9], $0x3200  }
0x21: {  	[sflag:s9] =	ssyncset.done $0x0  }
0x22: {  	[sflag:s9] =	ssyncadd.s32 $0xFFFFCE00  }
0x23: {  	[tilespmem:s12], [sflag:$0x1] =	stream.indirect.gather [hbm4b:s5+s11], $0x40, s4, s11, $0xb8;
	[tilespmem:$0xAF00] =	vst v63  }
0x24: {  	_ = 	snop  }
0x25: {  	[tilespmem:s14], [sflag:$0x2] =	stream.indirect.gather [hbm4b:s5+s13], $0x40, s11, s13, $0xb8;
	[tilespmem:$0xAF00] =	vst v63  }
0x26: {  	_ = 	snop  }
0x27: {  	[tilespmem:s16], [sflag:$0x3] =	stream.indirect.gather [hbm4b:s5+s11], $0x40, s15, s11, $0xb8;
	[tilespmem:$0xAF00] =	vst v63  }
0x28: {  	s29 =	simm.s32 $0x0  }
0x29: {  	[tilespmem:s18], [sflag:$0x4] =	stream.indirect.gather [hbm4b:s5+s13], $0x40, s17, s13, $0xb8;
	[tilespmem:$0xAF00] =	vst v63  }
.LBB2_2:
0x2a: {  	_ =	swait.ge [sflag:s19], $0x2000  }
0x2b: {  	[sflag:s19] =	ssyncset.done $0x0  }
0x2c: {  	s31 =	simm.s32 $0x0;
	[sflag:s19] =	ssyncadd.s32 $0xFFFFE000  }
0x2d: {  	v0 =	vld [tilespmem:s31+$0x19F0]  }
0x2e: {  	v1 =	vld [tilespmem:s31+$0x1900]  }
0x2f: {  	v2 =	vld [tilespmem:s31+$0x1910]  }
0x30: {  	v3 =	vld [tilespmem:s31+$0x1920]  }
0x31: {  	v4 =	vld [tilespmem:s31+$0x1930]  }
0x32: {  	v5 =	vld [tilespmem:s31+$0x1940]  }
0x33: {  	v6 =	vld [tilespmem:s31+$0x1950]  }
0x34: {  	v7 =	vld [tilespmem:s31+$0x1960]  }
0x35: {  	v8 =	vld [tilespmem:s31+$0x1970]  }
0x36: {  	v9 =	vld [tilespmem:s31+$0x1980]  }
0x37: {  	v10 =	vld [tilespmem:s31+$0x1990]  }
0x38: {  	v11 =	vld [tilespmem:s31+$0x19A0]  }
0x39: {  	v12 =	vld [tilespmem:s31+$0x19B0]  }
0x3a: {  	v13 =	vld [tilespmem:s31+$0x19C0]  }
0x3b: {  	v14 =	vld [tilespmem:s31+$0x19D0]  }
0x3c: {  	[tilespmem:s31+$0x4BF0] =	vst.add.f32.msk $0xffff, v0  }
0x3d: {  	v0 =	vld [tilespmem:s31+$0x19E0]  }
0x3e: {  	[tilespmem:s31+$0x4B00] =	vst.add.f32.msk $0xffff, v1  }
0x3f: {  	[tilespmem:s31+$0x4B10] =	vst.add.f32.msk $0xffff, v2  }
0x40: {  	[tilespmem:s31+$0x4B20] =	vst.add.f32.msk $0xffff, v3  }
0x41: {  	[tilespmem:s31+$0x4B30] =	vst.add.f32.msk $0xffff, v4  }
0x42: {  	[tilespmem:s31+$0x4B40] =	vst.add.f32.msk $0xffff, v5  }
0x43: {  	[tilespmem:s31+$0x4B50] =	vst.add.f32.msk $0xffff, v6  }
0x44: {  	[tilespmem:s31+$0x4B60] =	vst.add.f32.msk $0xffff, v7  }
0x45: {  	[tilespmem:s31+$0x4B70] =	vst.add.f32.msk $0xffff, v8  }
0x46: {  	[tilespmem:s31+$0x4B80] =	vst.add.f32.msk $0xffff, v9  }
0x47: {  	[tilespmem:s31+$0x4B90] =	vst.add.f32.msk $0xffff, v10  }
0x48: {  	[tilespmem:s31+$0x4BA0] =	vst.add.f32.msk $0xffff, v11  }
0x49: {  	[tilespmem:s31+$0x4BB0] =	vst.add.f32.msk $0xffff, v12  }
0x4a: {  	[tilespmem:s31+$0x4BC0] =	vst.add.f32.msk $0xffff, v13  }
0x4b: {  	s30 =	simm.s32 $0x0;
	s1 =	simm.s32 $0x400;
	[tilespmem:s31+$0x4BD0] =	vst.add.f32.msk $0xffff, v14  }
.LBB2_3:
0x4c: {  	s30 =	sadd.s32 $0x4, s30;
	[tilespmem:s31+$0x4BE0] =	vst.add.f32.msk $0xffff, v0;
	s31 =	sshra.s32 s1, $0x2  }
0x4d: {  	v0 =	vld [tilespmem:s31+$0x19F0];
	p0 =	slt.u32 s30, $0x7C  }
0x4e: {  	v1 =	vld [tilespmem:s31+$0x1900]  }
0x4f: {  	v2 =	vld [tilespmem:s31+$0x1910]  }
0x50: {  	v3 =	vld [tilespmem:s31+$0x1920]  }
0x51: {  	v4 =	vld [tilespmem:s31+$0x1930]  }
0x52: {  	[tilespmem:s31+$0x4BF0] =	vst.add.f32.msk $0xffff, v0  }
0x53: {  	v5 =	vld [tilespmem:s31+$0x1940]  }
0x54: {  	v6 =	vld [tilespmem:s31+$0x1950]  }
0x55: {  	v7 =	vld [tilespmem:s31+$0x1960]  }
0x56: {  	v8 =	vld [tilespmem:s31+$0x1970]  }
0x57: {  	v9 =	vld [tilespmem:s31+$0x1980]  }
0x58: {  	v10 =	vld [tilespmem:s31+$0x1990]  }
0x59: {  	v11 =	vld [tilespmem:s31+$0x19A0]  }
0x5a: {  	v12 =	vld [tilespmem:s31+$0x19B0]  }
0x5b: {  	v13 =	vld [tilespmem:s31+$0x19C0]  }
0x5c: {  	v14 =	vld [tilespmem:s31+$0x19D0]  }
0x5d: {  	v0 =	vld [tilespmem:s31+$0x19E0]  }
0x5e: {  	[tilespmem:s31+$0x4B00] =	vst.add.f32.msk $0xffff, v1  }
0x5f: {  	[tilespmem:s31+$0x4B10] =	vst.add.f32.msk $0xffff, v2  }
0x60: {  	[tilespmem:s31+$0x4B20] =	vst.add.f32.msk $0xffff, v3  }
0x61: {  	[tilespmem:s31+$0x4B30] =	vst.add.f32.msk $0xffff, v4  }
0x62: {  	[tilespmem:s31+$0x4B40] =	vst.add.f32.msk $0xffff, v5  }
0x63: {  	[tilespmem:s31+$0x4B50] =	vst.add.f32.msk $0xffff, v6  }
0x64: {  	[tilespmem:s31+$0x4B60] =	vst.add.f32.msk $0xffff, v7  }
0x65: {  	[tilespmem:s31+$0x4B70] =	vst.add.f32.msk $0xffff, v8  }
0x66: {  	[tilespmem:s31+$0x4B80] =	vst.add.f32.msk $0xffff, v9  }
.Ltmp2:
0x67: {  	[tilespmem:s31+$0x4B90] =	vst.add.f32.msk $0xffff, v10;
	(pc) =	sbr.rel @p0 .LBB2_3-.Ltmp2, $4  }
0x68: {  	[tilespmem:s31+$0x4BA0] =	vst.add.f32.msk $0xffff, v11  }
0x69: {  	[tilespmem:s31+$0x4BB0] =	vst.add.f32.msk $0xffff, v12  }
0x6a: {  	[tilespmem:s31+$0x4BC0] =	vst.add.f32.msk $0xffff, v13  }
0x6b: {  	s1 =	sadd.s32 $0x400, s1;
	[tilespmem:s31+$0x4BD0] =	vst.add.f32.msk $0xffff, v14  }
0x6c: {  	s0 =	sshll.u32 s29, $0x1  }
0x6d: {  	s30 =	sor.u32 s3, s0  }
0x6e: {  	s0 =	smul.u32 $0x640, s30;
	_ =	sdelay $0x1  }
0x6f: {  	[tilespmem:s31+$0x4BE0] =	vst.add.f32.msk $0xffff, v0;
	s1 =	simm.s32 $0x0;
	s0 =	sadd.s32 s2, s0  }
0x70: {  	[hbm4b:s0+s1] =	stream.linear.scatter [tilespmem:s12], [sflag:$0x5], $0x2000, $0x38;
	[tilespmem:$0xAF00] =	vst v63  }
0x71: {  	_ =	swait.ge [sflag:s20], $0x1200  }
0x72: {  	[sflag:s20] =	ssyncset.done $0x0  }
0x73: {  	s31 =	simm.s32 $0x0;
	[sflag:s20] =	ssyncadd.s32 $0xFFFFEE00  }
0x74: {  	v0 =	vld [tilespmem:s31+$0x39F0]  }
0x75: {  	v1 =	vld [tilespmem:s31+$0x3900]  }
0x76: {  	v2 =	vld [tilespmem:s31+$0x3910]  }
0x77: {  	v3 =	vld [tilespmem:s31+$0x3920]  }
0x78: {  	v4 =	vld [tilespmem:s31+$0x3930]  }
0x79: {  	v5 =	vld [tilespmem:s31+$0x3940]  }
0x7a: {  	v6 =	vld [tilespmem:s31+$0x3950]  }
0x7b: {  	v7 =	vld [tilespmem:s31+$0x3960]  }
0x7c: {  	v8 =	vld [tilespmem:s31+$0x3970]  }
0x7d: {  	v9 =	vld [tilespmem:s31+$0x3980]  }
0x7e: {  	v10 =	vld [tilespmem:s31+$0x3990]  }
0x7f: {  	v11 =	vld [tilespmem:s31+$0x39A0]  }
0x80: {  	v12 =	vld [tilespmem:s31+$0x39B0]  }
0x81: {  	v13 =	vld [tilespmem:s31+$0x39C0]  }
0x82: {  	v14 =	vld [tilespmem:s31+$0x39D0]  }
0x83: {  	[tilespmem:s31+$0x6BF0] =	vst.add.f32.msk $0xffff, v0  }
0x84: {  	v0 =	vld [tilespmem:s31+$0x39E0]  }
0x85: {  	[tilespmem:s31+$0x6B00] =	vst.add.f32.msk $0xffff, v1  }
0x86: {  	[tilespmem:s31+$0x6B10] =	vst.add.f32.msk $0xffff, v2  }
0x87: {  	[tilespmem:s31+$0x6B20] =	vst.add.f32.msk $0xffff, v3  }
0x88: {  	[tilespmem:s31+$0x6B30] =	vst.add.f32.msk $0xffff, v4  }
0x89: {  	[tilespmem:s31+$0x6B40] =	vst.add.f32.msk $0xffff, v5  }
0x8a: {  	[tilespmem:s31+$0x6B50] =	vst.add.f32.msk $0xffff, v6  }
0x8b: {  	[tilespmem:s31+$0x6B60] =	vst.add.f32.msk $0xffff, v7  }
0x8c: {  	[tilespmem:s31+$0x6B70] =	vst.add.f32.msk $0xffff, v8  }
0x8d: {  	[tilespmem:s31+$0x6B80] =	vst.add.f32.msk $0xffff, v9  }
0x8e: {  	[tilespmem:s31+$0x6B90] =	vst.add.f32.msk $0xffff, v10  }
0x8f: {  	[tilespmem:s31+$0x6BA0] =	vst.add.f32.msk $0xffff, v11  }
0x90: {  	[tilespmem:s31+$0x6BB0] =	vst.add.f32.msk $0xffff, v12  }
0x91: {  	[tilespmem:s31+$0x6BC0] =	vst.add.f32.msk $0xffff, v13  }
0x92: {  	s1 =	simm.s32 $0x0;
	s0 =	simm.s32 $0x400;
	[tilespmem:s31+$0x6BD0] =	vst.add.f32.msk $0xffff, v14  }
.LBB2_5:
0x93: {  	s1 =	sadd.s32 $0x4, s1;
	[tilespmem:s31+$0x6BE0] =	vst.add.f32.msk $0xffff, v0;
	s31 =	sshra.s32 s0, $0x2  }
0x94: {  	v0 =	vld [tilespmem:s31+$0x39F0];
	p0 =	slt.u32 s1, $0x44  }
0x95: {  	v1 =	vld [tilespmem:s31+$0x3900]  }
0x96: {  	v2 =	vld [tilespmem:s31+$0x3910]  }
0x97: {  	v3 =	vld [tilespmem:s31+$0x3920]  }
0x98: {  	v4 =	vld [tilespmem:s31+$0x3930]  }
0x99: {  	[tilespmem:s31+$0x6BF0] =	vst.add.f32.msk $0xffff, v0  }
0x9a: {  	v5 =	vld [tilespmem:s31+$0x3940]  }
0x9b: {  	v6 =	vld [tilespmem:s31+$0x3950]  }
0x9c: {  	v7 =	vld [tilespmem:s31+$0x3960]  }
0x9d: {  	v8 =	vld [tilespmem:s31+$0x3970]  }
0x9e: {  	v9 =	vld [tilespmem:s31+$0x3980]  }
0x9f: {  	v10 =	vld [tilespmem:s31+$0x3990]  }
0xa0: {  	v11 =	vld [tilespmem:s31+$0x39A0]  }
0xa1: {  	v12 =	vld [tilespmem:s31+$0x39B0]  }
0xa2: {  	v13 =	vld [tilespmem:s31+$0x39C0]  }
0xa3: {  	v14 =	vld [tilespmem:s31+$0x39D0]  }
0xa4: {  	v0 =	vld [tilespmem:s31+$0x39E0]  }
0xa5: {  	[tilespmem:s31+$0x6B00] =	vst.add.f32.msk $0xffff, v1  }
0xa6: {  	[tilespmem:s31+$0x6B10] =	vst.add.f32.msk $0xffff, v2  }
0xa7: {  	[tilespmem:s31+$0x6B20] =	vst.add.f32.msk $0xffff, v3  }
0xa8: {  	[tilespmem:s31+$0x6B30] =	vst.add.f32.msk $0xffff, v4  }
0xa9: {  	[tilespmem:s31+$0x6B40] =	vst.add.f32.msk $0xffff, v5  }
0xaa: {  	[tilespmem:s31+$0x6B50] =	vst.add.f32.msk $0xffff, v6  }
0xab: {  	[tilespmem:s31+$0x6B60] =	vst.add.f32.msk $0xffff, v7  }
0xac: {  	[tilespmem:s31+$0x6B70] =	vst.add.f32.msk $0xffff, v8  }
0xad: {  	[tilespmem:s31+$0x6B80] =	vst.add.f32.msk $0xffff, v9  }
.Ltmp3:
0xae: {  	[tilespmem:s31+$0x6B90] =	vst.add.f32.msk $0xffff, v10;
	(pc) =	sbr.rel @p0 .LBB2_5-.Ltmp3, $4  }
0xaf: {  	[tilespmem:s31+$0x6BA0] =	vst.add.f32.msk $0xffff, v11  }
0xb0: {  	[tilespmem:s31+$0x6BB0] =	vst.add.f32.msk $0xffff, v12  }
0xb1: {  	[tilespmem:s31+$0x6BC0] =	vst.add.f32.msk $0xffff, v13  }
0xb2: {  	s0 =	sadd.s32 $0x400, s0;
	[tilespmem:s31+$0x6BD0] =	vst.add.f32.msk $0xffff, v14  }
0xb3: {  	s0 =	smul.u32 $0x3200, s30;
	_ =	sdelay $0x1  }
0xb4: {  	s0 =	sshrl.u32 s0, $0x3  }
0xb5: {  	s0 =	sadd.s32 s2, s0  }
0xb6: {  	[tilespmem:s31+$0x6BE0] =	vst.add.f32.msk $0xffff, v0;
	s1 =	simm.s32 $0x0;
	s0 =	sadd.s32 $0x400, s0  }
0xb7: {  	[hbm4b:s0+s1] =	stream.linear.scatter [tilespmem:s14], [sflag:$0x6], $0x1200, $0x38;
	[tilespmem:$0xAF00] =	vst v63  }
0xb8: {  	_ =	swait.ge [sflag:s21], $0x2000  }
0xb9: {  	[sflag:s21] =	ssyncset.done $0x0  }
0xba: {  	s31 =	simm.s32 $0x0;
	[sflag:s21] =	ssyncadd.s32 $0xFFFFE000  }
0xbb: {  	v0 =	vld [tilespmem:s31+$0x19F0]  }
0xbc: {  	v1 =	vld [tilespmem:s31+$0x1900]  }
0xbd: {  	v2 =	vld [tilespmem:s31+$0x1910]  }
0xbe: {  	v3 =	vld [tilespmem:s31+$0x1920]  }
0xbf: {  	v4 =	vld [tilespmem:s31+$0x1930]  }
0xc0: {  	v5 =	vld [tilespmem:s31+$0x1940]  }
0xc1: {  	v6 =	vld [tilespmem:s31+$0x1950]  }
0xc2: {  	v7 =	vld [tilespmem:s31+$0x1960]  }
0xc3: {  	v8 =	vld [tilespmem:s31+$0x1970]  }
0xc4: {  	v9 =	vld [tilespmem:s31+$0x1980]  }
0xc5: {  	v10 =	vld [tilespmem:s31+$0x1990]  }
0xc6: {  	v11 =	vld [tilespmem:s31+$0x19A0]  }
0xc7: {  	v12 =	vld [tilespmem:s31+$0x19B0]  }
0xc8: {  	v13 =	vld [tilespmem:s31+$0x19C0]  }
0xc9: {  	v14 =	vld [tilespmem:s31+$0x19D0]  }
0xca: {  	[tilespmem:s31+$0x7DF0] =	vst.add.f32.msk $0xffff, v0  }
0xcb: {  	v0 =	vld [tilespmem:s31+$0x19E0]  }
0xcc: {  	[tilespmem:s31+$0x7D00] =	vst.add.f32.msk $0xffff, v1  }
0xcd: {  	[tilespmem:s31+$0x7D10] =	vst.add.f32.msk $0xffff, v2  }
0xce: {  	[tilespmem:s31+$0x7D20] =	vst.add.f32.msk $0xffff, v3  }
0xcf: {  	[tilespmem:s31+$0x7D30] =	vst.add.f32.msk $0xffff, v4  }
0xd0: {  	[tilespmem:s31+$0x7D40] =	vst.add.f32.msk $0xffff, v5  }
0xd1: {  	[tilespmem:s31+$0x7D50] =	vst.add.f32.msk $0xffff, v6  }
0xd2: {  	[tilespmem:s31+$0x7D60] =	vst.add.f32.msk $0xffff, v7  }
0xd3: {  	[tilespmem:s31+$0x7D70] =	vst.add.f32.msk $0xffff, v8  }
0xd4: {  	[tilespmem:s31+$0x7D80] =	vst.add.f32.msk $0xffff, v9  }
0xd5: {  	[tilespmem:s31+$0x7D90] =	vst.add.f32.msk $0xffff, v10  }
0xd6: {  	[tilespmem:s31+$0x7DA0] =	vst.add.f32.msk $0xffff, v11  }
0xd7: {  	[tilespmem:s31+$0x7DB0] =	vst.add.f32.msk $0xffff, v12  }
0xd8: {  	[tilespmem:s31+$0x7DC0] =	vst.add.f32.msk $0xffff, v13  }
0xd9: {  	s1 =	simm.s32 $0x0;
	s0 =	simm.s32 $0x400;
	[tilespmem:s31+$0x7DD0] =	vst.add.f32.msk $0xffff, v14  }
.LBB2_7:
0xda: {  	s1 =	sadd.s32 $0x4, s1;
	[tilespmem:s31+$0x7DE0] =	vst.add.f32.msk $0xffff, v0;
	s31 =	sshra.s32 s0, $0x2  }
0xdb: {  	v0 =	vld [tilespmem:s31+$0x19F0];
	p0 =	slt.u32 s1, $0x7C  }
0xdc: {  	v1 =	vld [tilespmem:s31+$0x1900]  }
0xdd: {  	v2 =	vld [tilespmem:s31+$0x1910]  }
0xde: {  	v3 =	vld [tilespmem:s31+$0x1920]  }
0xdf: {  	v4 =	vld [tilespmem:s31+$0x1930]  }
0xe0: {  	[tilespmem:s31+$0x7DF0] =	vst.add.f32.msk $0xffff, v0  }
0xe1: {  	v5 =	vld [tilespmem:s31+$0x1940]  }
0xe2: {  	v6 =	vld [tilespmem:s31+$0x1950]  }
0xe3: {  	v7 =	vld [tilespmem:s31+$0x1960]  }
0xe4: {  	v8 =	vld [tilespmem:s31+$0x1970]  }
0xe5: {  	v9 =	vld [tilespmem:s31+$0x1980]  }
0xe6: {  	v10 =	vld [tilespmem:s31+$0x1990]  }
0xe7: {  	v11 =	vld [tilespmem:s31+$0x19A0]  }
0xe8: {  	v12 =	vld [tilespmem:s31+$0x19B0]  }
0xe9: {  	v13 =	vld [tilespmem:s31+$0x19C0]  }
0xea: {  	v14 =	vld [tilespmem:s31+$0x19D0]  }
0xeb: {  	v0 =	vld [tilespmem:s31+$0x19E0]  }
0xec: {  	[tilespmem:s31+$0x7D00] =	vst.add.f32.msk $0xffff, v1  }
0xed: {  	[tilespmem:s31+$0x7D10] =	vst.add.f32.msk $0xffff, v2  }
0xee: {  	[tilespmem:s31+$0x7D20] =	vst.add.f32.msk $0xffff, v3  }
0xef: {  	[tilespmem:s31+$0x7D30] =	vst.add.f32.msk $0xffff, v4  }
0xf0: {  	[tilespmem:s31+$0x7D40] =	vst.add.f32.msk $0xffff, v5  }
0xf1: {  	[tilespmem:s31+$0x7D50] =	vst.add.f32.msk $0xffff, v6  }
0xf2: {  	[tilespmem:s31+$0x7D60] =	vst.add.f32.msk $0xffff, v7  }
0xf3: {  	[tilespmem:s31+$0x7D70] =	vst.add.f32.msk $0xffff, v8  }
0xf4: {  	[tilespmem:s31+$0x7D80] =	vst.add.f32.msk $0xffff, v9  }
.Ltmp4:
0xf5: {  	[tilespmem:s31+$0x7D90] =	vst.add.f32.msk $0xffff, v10;
	(pc) =	sbr.rel @p0 .LBB2_7-.Ltmp4, $4  }
0xf6: {  	[tilespmem:s31+$0x7DA0] =	vst.add.f32.msk $0xffff, v11  }
0xf7: {  	[tilespmem:s31+$0x7DB0] =	vst.add.f32.msk $0xffff, v12  }
0xf8: {  	[tilespmem:s31+$0x7DC0] =	vst.add.f32.msk $0xffff, v13  }
0xf9: {  	s0 =	sadd.s32 $0x400, s0;
	[tilespmem:s31+$0x7DD0] =	vst.add.f32.msk $0xffff, v14  }
0xfa: {  	s30 =	sor.u32 $0x1, s30  }
0xfb: {  	s0 =	smul.u32 $0x640, s30;
	_ =	sdelay $0x1  }
0xfc: {  	[tilespmem:s31+$0x7DE0] =	vst.add.f32.msk $0xffff, v0;
	s1 =	simm.s32 $0x0;
	s0 =	sadd.s32 s2, s0  }
0xfd: {  	[hbm4b:s0+s1] =	stream.linear.scatter [tilespmem:s16], [sflag:$0x7], $0x2000, $0x38;
	[tilespmem:$0xAF00] =	vst v63  }
0xfe: {  	_ =	swait.ge [sflag:s22], $0x1200  }
0xff: {  	[sflag:s22] =	ssyncset.done $0x0  }
0x100: {  	s31 =	simm.s32 $0x0;
	[sflag:s22] =	ssyncadd.s32 $0xFFFFEE00  }
0x101: {  	v0 =	vld [tilespmem:s31+$0x39F0]  }
0x102: {  	v1 =	vld [tilespmem:s31+$0x3900]  }
0x103: {  	v2 =	vld [tilespmem:s31+$0x3910]  }
0x104: {  	v3 =	vld [tilespmem:s31+$0x3920]  }
0x105: {  	v4 =	vld [tilespmem:s31+$0x3930]  }
0x106: {  	v5 =	vld [tilespmem:s31+$0x3940]  }
0x107: {  	v6 =	vld [tilespmem:s31+$0x3950]  }
0x108: {  	v7 =	vld [tilespmem:s31+$0x3960]  }
0x109: {  	v8 =	vld [tilespmem:s31+$0x3970]  }
0x10a: {  	v9 =	vld [tilespmem:s31+$0x3980]  }
0x10b: {  	v10 =	vld [tilespmem:s31+$0x3990]  }
0x10c: {  	v11 =	vld [tilespmem:s31+$0x39A0]  }
0x10d: {  	v12 =	vld [tilespmem:s31+$0x39B0]  }
0x10e: {  	v13 =	vld [tilespmem:s31+$0x39C0]  }
0x10f: {  	v14 =	vld [tilespmem:s31+$0x39D0]  }
0x110: {  	[tilespmem:s31+$0x9DF0] =	vst.add.f32.msk $0xffff, v0  }
0x111: {  	v0 =	vld [tilespmem:s31+$0x39E0]  }
0x112: {  	[tilespmem:s31+$0x9D00] =	vst.add.f32.msk $0xffff, v1  }
0x113: {  	[tilespmem:s31+$0x9D10] =	vst.add.f32.msk $0xffff, v2  }
0x114: {  	[tilespmem:s31+$0x9D20] =	vst.add.f32.msk $0xffff, v3  }
0x115: {  	[tilespmem:s31+$0x9D30] =	vst.add.f32.msk $0xffff, v4  }
0x116: {  	[tilespmem:s31+$0x9D40] =	vst.add.f32.msk $0xffff, v5  }
0x117: {  	[tilespmem:s31+$0x9D50] =	vst.add.f32.msk $0xffff, v6  }
0x118: {  	[tilespmem:s31+$0x9D60] =	vst.add.f32.msk $0xffff, v7  }
0x119: {  	[tilespmem:s31+$0x9D70] =	vst.add.f32.msk $0xffff, v8  }
0x11a: {  	[tilespmem:s31+$0x9D80] =	vst.add.f32.msk $0xffff, v9  }
0x11b: {  	[tilespmem:s31+$0x9D90] =	vst.add.f32.msk $0xffff, v10  }
0x11c: {  	[tilespmem:s31+$0x9DA0] =	vst.add.f32.msk $0xffff, v11  }
0x11d: {  	[tilespmem:s31+$0x9DB0] =	vst.add.f32.msk $0xffff, v12  }
0x11e: {  	[tilespmem:s31+$0x9DC0] =	vst.add.f32.msk $0xffff, v13  }
0x11f: {  	s1 =	simm.s32 $0x0;
	s0 =	simm.s32 $0x400;
	[tilespmem:s31+$0x9DD0] =	vst.add.f32.msk $0xffff, v14  }
.LBB2_9:
0x120: {  	s1 =	sadd.s32 $0x4, s1;
	[tilespmem:s31+$0x9DE0] =	vst.add.f32.msk $0xffff, v0;
	s31 =	sshra.s32 s0, $0x2  }
0x121: {  	v0 =	vld [tilespmem:s31+$0x39F0];
	p0 =	slt.u32 s1, $0x44  }
0x122: {  	v1 =	vld [tilespmem:s31+$0x3900]  }
0x123: {  	v2 =	vld [tilespmem:s31+$0x3910]  }
0x124: {  	v3 =	vld [tilespmem:s31+$0x3920]  }
0x125: {  	v4 =	vld [tilespmem:s31+$0x3930]  }
0x126: {  	[tilespmem:s31+$0x9DF0] =	vst.add.f32.msk $0xffff, v0  }
0x127: {  	v5 =	vld [tilespmem:s31+$0x3940]  }
0x128: {  	v6 =	vld [tilespmem:s31+$0x3950]  }
0x129: {  	v7 =	vld [tilespmem:s31+$0x3960]  }
0x12a: {  	v8 =	vld [tilespmem:s31+$0x3970]  }
0x12b: {  	v9 =	vld [tilespmem:s31+$0x3980]  }
0x12c: {  	v10 =	vld [tilespmem:s31+$0x3990]  }
0x12d: {  	v11 =	vld [tilespmem:s31+$0x39A0]  }
0x12e: {  	v12 =	vld [tilespmem:s31+$0x39B0]  }
0x12f: {  	v13 =	vld [tilespmem:s31+$0x39C0]  }
0x130: {  	v14 =	vld [tilespmem:s31+$0x39D0]  }
0x131: {  	v0 =	vld [tilespmem:s31+$0x39E0]  }
0x132: {  	[tilespmem:s31+$0x9D00] =	vst.add.f32.msk $0xffff, v1  }
0x133: {  	[tilespmem:s31+$0x9D10] =	vst.add.f32.msk $0xffff, v2  }
0x134: {  	[tilespmem:s31+$0x9D20] =	vst.add.f32.msk $0xffff, v3  }
0x135: {  	[tilespmem:s31+$0x9D30] =	vst.add.f32.msk $0xffff, v4  }
0x136: {  	[tilespmem:s31+$0x9D40] =	vst.add.f32.msk $0xffff, v5  }
0x137: {  	[tilespmem:s31+$0x9D50] =	vst.add.f32.msk $0xffff, v6  }
0x138: {  	[tilespmem:s31+$0x9D60] =	vst.add.f32.msk $0xffff, v7  }
0x139: {  	[tilespmem:s31+$0x9D70] =	vst.add.f32.msk $0xffff, v8  }
0x13a: {  	[tilespmem:s31+$0x9D80] =	vst.add.f32.msk $0xffff, v9  }
.Ltmp5:
0x13b: {  	[tilespmem:s31+$0x9D90] =	vst.add.f32.msk $0xffff, v10;
	(pc) =	sbr.rel @p0 .LBB2_9-.Ltmp5, $4  }
0x13c: {  	[tilespmem:s31+$0x9DA0] =	vst.add.f32.msk $0xffff, v11  }
0x13d: {  	[tilespmem:s31+$0x9DB0] =	vst.add.f32.msk $0xffff, v12  }
0x13e: {  	[tilespmem:s31+$0x9DC0] =	vst.add.f32.msk $0xffff, v13  }
0x13f: {  	s0 =	sadd.s32 $0x400, s0;
	[tilespmem:s31+$0x9DD0] =	vst.add.f32.msk $0xffff, v14  }
0x140: {  	s0 =	smul.u32 $0x3200, s30;
	p0 =	seq.s32 s29, $0xF  }
.Ltmp6:
0x141: {  	_ = 	snop;
	(pc) =	sbr.rel @p0 .LBB2_12-.Ltmp6, $4  }
0x142: {  	s0 =	sshrl.u32 s0, $0x3  }
0x143: {  	s0 =	sadd.s32 s2, s0  }
0x144: {  	[tilespmem:s31+$0x9DE0] =	vst.add.f32.msk $0xffff, v0;
	s0 =	sadd.s32 $0x400, s0  }
0x145: {  	[hbm4b:s0+s4] =	stream.linear.scatter [tilespmem:s18], [sflag:$0x8], $0x1200, $0x38;
	[tilespmem:$0xAF00] =	vst v63  }
0x146: {  	s0 =	smul.u32 $0x640, s29  }
0x147: {  	_ =	swait.ge [sflag:s23], $0x2000  }
0x148: {  	[sflag:s23] =	ssyncset.done $0x0;
	s0 =	sadd.s32 $0x640, s0  }
0x149: {  	[sflag:s23] =	ssyncadd.s32 $0xFFFFE000;
	s0 =	sshra.s32 s0, $0x2  }
0x14a: {  	[tilespmem:s12], [sflag:$0x1] =	stream.indirect.gather [hbm4b:s5+s11], $0x40, s0, s11, $0xb8;
	[tilespmem:$0xAF00] =	vst v63  }
0x14b: {  	_ =	swait.ge [sflag:s24], $0x1200  }
0x14c: {  	s1 =	sshll.u32 s29, $0x2;
	[sflag:s24] =	ssyncset.done $0x0  }
0x14d: {  	s31 =	sadd.s32 $0x6, s1;
	s0 =	sadd.s32 $0x80, s0;
	[sflag:s24] =	ssyncadd.s32 $0xFFFFEE00  }
0x14e: {  	[tilespmem:s14], [sflag:$0x2] =	stream.indirect.gather [hbm4b:s5+s13], $0x40, s0, s13, $0xb8;
	[tilespmem:$0xAF00] =	vst v63  }
0x14f: {  	s0 =	sshrl.u32 s31, $0x1  }
0x150: {  	_ =	swait.ge [sflag:s25], $0x2000;
	s0 =	smul.u32 $0x320, s0  }
0x151: {  	[sflag:s25] =	ssyncset.done $0x0  }
0x152: {  	[sflag:s25] =	ssyncadd.s32 $0xFFFFE000;
	s0 =	sshra.s32 s0, $0x2  }
0x153: {  	[tilespmem:s16], [sflag:$0x3] =	stream.indirect.gather [hbm4b:s5+s11], $0x40, s0, s11, $0xb8;
	[tilespmem:$0xAF00] =	vst v63  }
.Ltmp7:
0x154: {  	_ = 	snop;
	(pc) =	sbr.rel .LBB2_2-.Ltmp7, $4  }
0x155: {  	_ =	swait.ge [sflag:s26], $0x1200  }
0x156: {  	[sflag:s26] =	ssyncset.done $0x0  }
0x157: {  	s29 =	sadd.s32 $0x1, s29;
	s0 =	sadd.s32 $0x80, s0;
	[sflag:s26] =	ssyncadd.s32 $0xFFFFEE00  }
0x158: {  	[tilespmem:s18], [sflag:$0x4] =	stream.indirect.gather [hbm4b:s5+s13], $0x40, s0, s13, $0xb8;
	[tilespmem:$0xAF00] =	vst v63  }
.LBB2_13:
0x159: {  	_ =	sfence.sel $0x180000  }
0x15a: {  	[bflag:$0x0] =	sbarrier.arrive $0xFFFF  }
0x15b: {  	_ =	strace $0x90000047  }
0x15c: {  	s0 =	stileid.u32;
	[bflag:$0x2] =	sbarrier.arrive $0xFFFF  }
0x15d: {  	p0 =	sne.s32 s0, $0x0;
	s0 =	rddreg [dreg:$0x2]  }
0x15e: {  	s0 =	sadd.s32 @!p0 $0x100000, s0  }
0x15f: {  	[sflag:s0] =	ssyncadd.tile.s32 @!p0 $0x1;
	_ =	shalt  }
.Lfunc_end2:
_tile_overlayer_lowered:
.L_overlay_start_2:
0x160: {  	(tag) =	ssettag $0x2  }
0x161: {  	s0 =	rddreg [dreg:$0x0];
	s2 =	stileid.u32  }
0x162: {  	s1 =	rddreg [dreg:$0x1];
	p0 =	sne.s32 s2, $0x0  }
0x163: {  	s3 =	rddreg [dreg:$0x2];
	[bflag:$0x3] =	sbarrier.arrive $0xFFFF;
	s2 =	simm.s32 @!p0 $0x1C09  }
0x164: {  	[timem:s3], [sflag:s2] =	dma.local @!p0 [hbm:s0], s1  }
0x165: {  	s0 =	simm.s32 @!p0 $0x9  }
0x166: {  	_ =	swait.ge @!p0 [sflag:s0], s1  }
0x167: {  	s1 =	ssub.s32 @!p0 $0x0, s1;
	[sflag:s0] =	ssyncset.done @!p0 $0x0  }
0x168: {  	[sflag:s0] =	ssyncadd.s32 @!p0 s1  }
0x169: {  	[bflag:$0x3] =	sbarrier.arrive $0xFFFF  }
0x16a: {  	_ =	shalt  }

// kernel: sparse-core-data-format-call.cloned.1.call-start
scs
called_computation_lowered:
.L_overlay_start_0:
0x0: {  	s2 =	sld [smem:$0x3FD9]  }
0x1: {  	s3 =	sld [smem:$0x3FFE];
	_ =	sdelay $0x1  }
0x2: {  	s1 =	srdreg.scid  }
0x3: {  	s0 =	sand.u32 $0x1, s1  }
0x4: {  	s18 =	sshll.u32 s0, $0xA;
	s2 =	sadd.s32 s3, s2  }
0x5: {  	s2 =	sadd.s32 s2, s18  }
0x6: {  	[smem:$0x3FC5] =	sst s2  }
0x7: {  	_ = 	snop  }
0x8: {  	s2 =	sld [smem:$0x3FD0];
	(tm) =	ssettm $0x1  }
0x9: {  	s19 =	sld [smem:$0x3FFB];
	_ =	sdelay $0x3  }
0xa: {  	_ =	strace s19  }
0xb: {  	s3 =	sld [smem:$0x3FFC];
	_ =	sdelay $0x3  }
0xc: {  	_ =	strace s3  }
0xd: {  	s3 =	sld [smem:$0x3FFD];
	_ =	sdelay $0x3  }
0xe: {  	_ =	strace s3  }
0xf: {  	_ =	strace $0x8FFFFFFF  }
0x10: {  	s20 =	sld [smem:$0x3FDB];
	_ =	sdelay $0x1  }
0x11: {  	s4 =	simm.s32 $_scs_section_size  }
0x12: {  	s5 =	simm.s32 $_size__tile_overlayer_lowered;
	s6 =	simm.s32 $_tile_overlayer_lowered  }
0x13: {  	s23 =	simm.s32 $0x1BFF;
	s22 =	sshll.u32 s6, $0x1;
	s3 =	sadd.s32 s4, s20  }
0x14: {  	s7 =	simm.s32 $0x0;
	s21 =	sshll.u32 s5, $0x1;
	s5 =	sadd.s32 s22, s3  }
0x15: {  	[timem:s7], [sflag:s23] =	dma.local [hbm:s5], s21  }
0x16: {  	_ =	swait.ge [sflag:s23], s21  }
0x17: {  	s4 =	ssub.s32 $0x0, s21;
	[sflag:s23] =	ssyncset.done $0x0  }
0x18: {  	[sflag:s23] =	ssyncadd.s32 s4;
	_ =	sdelay $0x1  }
0x19: {  	s24 =	simm.s32 $0x1B8B  }
0x1a: {  	_ =	swait.ge [sflag:s24], $0x1  }
0x1b: {  	[sflag:s24] =	ssyncset.done $0x0  }
0x1c: {  	s26 =	simm.s32 $0x1B8E;
	s25 =	sld [smem:$0x3FFE];
	[sflag:s24] =	ssyncadd.s32 $0xFFFFFFFF  }
0x1d: {  	s27 =	simm.s32 $execute0_lowered;
	[smem:$0x3FD2] =	sst s26  }
0x1e: {  	s5 =	sshll.u32 s27, $0x1;
	_ =	strace $0x80000049;
	[dreg:$0x1] =	wrdreg $0xFFFFFFFF  }
0x1f: {  	s28 =	simm.s32 $_size_execute0_lowered;
	s3 =	sadd.s32 s3, s5;
	[dreg:$0x0] =	wrdreg $0x0  }
0x20: {  	s5 =	sshll.u32 s28, $0x1;
	[dreg:$0x2] =	wrdreg s3  }
0x21: {  	[dreg:$0x3] =	wrdreg s5  }
0x22: {  	[dreg:$0x4] =	wrdreg $0xC0  }
0x23: {  	_ =	task [dreg:s7], $0x5FFFF  }
0x24: {  	[dreg:$0x1] =	wrdreg $0xFFFFFFFF  }
0x25: {  	[dreg:$0x0] =	wrdreg $0x60  }
0x26: {  	[dreg:$0x2] =	wrdreg s25  }
0x27: {  	[dreg:$0x3] =	wrdreg s2  }
0x28: {  	[dreg:$0x4] =	wrdreg $0x9  }
0x29: {  	_ =	task.clear_ibuf [dreg:s7], $0x5FFFF;
	_ =	strace $0x90000049  }
0x2a: {  	s29 =	simm.s32 $0x9;
	_ =	strace $0x8000004B  }
0x2b: {  	_ =	swait.ge [sflag:s29], $0x1  }
0x2c: {  	[sflag:s29] =	ssyncadd.s32 $0xFFFFFFFF  }
0x2d: {  	_ =	strace $0x9000004B  }
0x2e: {  	_ =	sfence  }
0x2f: {  	s30 =	sld [smem:$0x0];
	_ =	sdelay $0x2  }
0x30: {  	s31 =	sshll.u32 s1, $0xD;
	s1 =	sshrl.u32 s1, $0x2  }
0x31: {  	s3 =	sand.u32 $0x4000, s31;
	s1 =	sadd.s32 s1, s30  }
0x32: {  	s0 =	sor.u32 s3, s0;
	s1 =	sshll.u32 s1, $0x11  }
0x33: {  	s0 =	sor.u32 s1, s0  }
0x34: {  	s0 =	sadd.s32 $0x8F2B, s0  }
0x35: {  	[sflag:s0] =	ssyncadd.remote.s32 $0x1  }
0x36: {  	_ =	sfence.sel $0xFFFF  }
0x37: {  	[dreg:$0x0] =	wrdreg $0xFFFFFFFF;
	(pc) =	sbr.abs _section_cstart, $3  }
0x38: {  	[dreg:$0x1] =	wrdreg $0xFFFFFFFF  }
0x39: {  	_ =	task.clear_ibuf [dreg:s7], $0x2FFFF;
	_ =	strace $0x9FFFFFFF  }
0x3a: {  	(tm) =	ssettm $0x7FFFFFFF  }
0x3b: {  	_ =	shalt  }
tec
execute0_lowered:
.L_overlay_start_1:
0x0: {  	(tag) =	ssettag $0x1  }
0x1: {  	s0 =	stileid.u32;
	s6 =	rddreg [dreg:$0x0]  }
0x2: {  	s2 =	rddreg [dreg:$0x1];
	s5 =	srdreg.scid  }
0x3: {  	s31 =	simm.s32 $0x2;
	s13 =	simm.s32 $0x0;
	s1 =	sshll.u32 s0, $0x7  }
0x4: {  	s14 =	simm.s32 $0x0;
	s12 =	simm.s32 $0x0;
	s3 =	sand.u32 $0x380, s1  }
0x5: {  	s5 =	sshll.u32 s5, $0x4;
	s6 =	sadd.s32 $0xC00, s6;
	s4 =	ssub.s32 $0x400, s3  }
0x6: {  	s1 =	rddreg [dreg:$0x2];
	_ =	strace $0x8000004A;
	s7 =	sand.u32 $0x380, s4  }
0x7: {  	s5 =	sand.u32 $0x10, s5;
	p0 =	sne.s32 s7, $0x0;
	s7 =	simm.s32 $0x1  }
.Ltmp0:
0x8: {  	s8 =	sshrl.u32 s4, $0xA;
	s7 =	simm.s32 @!p0 $0x0;
	(pc) =	sbr.rel .LBB1_1-.Ltmp0, $4  }
0x9: {  	s9 =	sor.u32 s0, s5;
	s4 =	simm.s32 $0x1;
	s30 =	sadd.s32 s7, s8  }
0xa: {  	s11 =	smov.u32 s3;
	[sflag:s4] =	ssyncpa.u1 $0x0;
	s5 =	smul.u32 $0x32, s30  }
0xb: {  	[sflag:s31] =	ssyncpa.u1 $0x0;
	p0 =	por $0x0, $0x0;
	s7 =	sshrl.u32 s9, $0x3  }
0xc: {  	s9 =	simm.s32 $0x2000;
	s10 =	smov.u32 s7;
	s8 =	sor.u32 $0x1, s5  }
.LBB1_4:
0xd: {  	s17 =	sand.u32 $0x1F80, s14;
	s13 =	sshll.u32 s13, $0xD  }
0xe: {  	[tilespmem:s16+$0x810 ss:$0x81] =	vst.msk $0xffff, v2;
	s18 =	sshrl.u32 s14, $0x3;
	s31 =	sand.u32 $0x7, s14;
	s17 =	sadd.s32 s2, s17  }
0xf: {  	[tilespmem:s16+$0x1020 ss:$0x81] =	vst.msk $0xffff, v0;
	s18 =	sand.u32 $0xF, s18;
	s14 =	sshll.u32 s31, $0x12;
	s13 =	sadd.s32 s13, s17  }
0x10: {  	[tilespmem:s16+$0x0 ss:$0x81] =	vst.msk $0xffff, v1;
	s14 =	sor.u32 $0x400, s14;
	s13 =	sadd.s32 s18, s13  }
0x11: {  	[hbm4b:s13+s14] =	stream.strided.scatter [tilespmem:s15], [sflag:$0x2], $0x2000, s9, s14, $0x20;
	[tilespmem:$0x8080] =	vst v63  }
.LBB1_5:
0x12: {  	s15 =	sadd.s32 $0x4, s10  }
0x13: {  	s13 =	sadd.s32 $0x400, s11;
	s17 =	smov.u32 s11;
	p2 =	sgt.s32 s15, $0xC7  }
0x14: {  	s17 =	smov.u32 @p2 s13  }
0x15: {  	s15 =	smov.u32 @p2 s7;
	p2 =	sgt.s32 s17, $0x3FF  }
0x16: {  	s17 =	smov.u32 @p2 s3;
	p2 =	sne.s32 s12, s8  }
.Ltmp1:
0x17: {  	p1 =	slt.u32 s12, $0x2;
	(pc) =	sbr.rel @!p2 .LBB1_6-.Ltmp1, $4  }
0x18: {  	s16 =	simm.s32 @!p1 $0x2  }
0x19: {  	s14 =	smov.u32 s11;
	p0 =	por !p0, !p0;
	_ =	swait.ge @!p1 [sflag:s16], $0x2000  }
0x1a: {  	s13 =	smov.u32 s10;
	[sflag:s16] =	ssyncset.done @!p1 $0x0;
	s10 =	smov.u32 s15  }
0x1b: {  	s12 =	sadd.s32 $0x1, s12;
	[sflag:s16] =	ssyncadd.s32 @!p1 $0xFFFFE000;
	s11 =	smov.u32 s17  }
.LBB1_1:
0x1c: {  	p1 =	sge.u32 s12, s5  }
0x1d: {  	s15 =	sand.u32 @!p1 $0x1FFFFFF, s10  }
0x1e: {  	s16 =	smulhi.u32 @!p1 $0x147AE15, s15;
	_ =	sdelay $0x1  }
0x1f: {  	s16 =	smul.u32 @!p1 $0xC8, s16  }
0x20: {  	s17 =	sxor.u32 @!p1 $0xFFFFFFFF, s12;
	s18 =	smul.u32 @!p1 $0xC80, s11  }
0x21: {  	s31 =	sadd.s32 $0xFFFFFFFF, s12;
	s17 =	sshll.u32 @!p1 s17, $0xD;
	s15 =	ssub.s32 @!p1 s15, s16  }
0x22: {  	s16 =	sand.u32 @!p1 $0x2000, s17;
	s17 =	sadd.s32 @!p1 s6, s18;
	s15 =	sshll.u32 @!p1 s15, $0x4  }
0x23: {  	s18 =	simm.s32 @!p1 $0x6400;
	s15 =	sadd.s32 @!p1 s15, s17;
	s17 =	simm.s32 @!p1 $0x40  }
0x24: {  	[tilespmem:s16], [sflag:$0x1] =	stream.strided.gather @!p1 [hbm4b:s15+s17], $0x2000, s18, s17, $0x38;
	[tilespmem:$0x8080] =	vst v63  }
0x25: {  	p1 =	sge.u32 s31, s5  }
.Ltmp2:
0x26: {  	_ = 	snop;
	(pc) =	sbr.rel @p1 .LBB1_5-.Ltmp2, $1  }
0x27: {  	_ =	sdelay $0x3  }
0x28: {  	s15 =	simm.s32 $0x1  }
0x29: {  	_ =	swait.ge [sflag:s4], $0x2000;
	s15 =	simm.s32 @!p0 $0x0  }
0x2a: {  	[sflag:s4] =	ssyncset.done $0x0;
	s16 =	sshll.u32 s15, $0xD  }
0x2b: {  	[sflag:s4] =	ssyncadd.s32 $0xFFFFE000;
	s19 =	sor.u32 $0x20, s16  }
0x2c: {  	s15 =	smul.u32 $0x8100, s15;
	v3 =	vld [tilespmem:s19+$0x10]  }
0x2d: {  	s30 =	sand.u32 $0x1, s12;
	v2 =	vld [tilespmem:s19+$0xFFFFFFF0]  }
0x2e: {  	s16 =	smul.u32 $0x8100, s30;
	s15 =	sshrl.u32 s15, $0x2;
	v0 =	vld [tilespmem:s19+$0x0]  }
0x2f: {  	v1 =	vld [tilespmem:s19+$0xFFFFFFE0];
	s17 =	sor.u32 $0x4000, s15  }
0x30: {  	s31 =	sshrl.u32 s16, $0x2;
	s16 =	sadd.s32 $0x0, s17  }
0x31: {  	s18 =	simm.s32 $0x4;
	s19 =	sadd.s32 $0x40, s19;
	s15 =	sor.u32 $0x4000, s31;
	[tilespmem:s16+$0x1830 ss:$0x81] =	vst.msk $0xffff, v3  }
.LBB1_3:
0x32: {  	v3 =	vld [tilespmem:s19+$0x10];
	p1 =	sne.s32 s18, $0x1FC;
	[tilespmem:s16+$0x810 ss:$0x81] =	vst.msk $0xffff, v2;
	s20 =	smov.u32 s18;
	s18 =	sadd.s32 $0x4, s18  }
.Ltmp3:
0x33: {  	v2 =	vld [tilespmem:s19+$0xFFFFFFF0];
	[tilespmem:s16+$0x1020 ss:$0x81] =	vst.msk $0xffff, v0;
	(pc) =	sbr.rel @p1 .LBB1_3-.Ltmp3, $4  }
0x34: {  	v0 =	vld [tilespmem:s19+$0x0];
	[tilespmem:s16+$0x0 ss:$0x81] =	vst.msk $0xffff, v1  }
0x35: {  	s16 =	sshra.s32 s20, $0x2;
	v1 =	vld [tilespmem:s19+$0xFFFFFFE0]  }
0x36: {  	s16 =	sadd.s32 s16, s17  }
0x37: {  	s19 =	sadd.s32 $0x40, s19;
	[tilespmem:s16+$0x1830 ss:$0x81] =	vst.msk $0xffff, v3  }
.Ltmp4:
0x38: {  	_ = 	snop;
	(pc) =	sbr.rel .LBB1_4-.Ltmp4, $1  }
0x39: {  	_ =	sdelay $0x3  }
.LBB1_6:
0x3a: {  	_ =	sfence.sel $0x180000  }
0x3b: {  	s2 =	simm.s32 $0x1;
	[bflag:$0x0] =	sbarrier.arrive $0xFFFF  }
0x3c: {  	s31 =	simm.s32 $0x2;
	[sflag:s2] =	ssyncpa.u1 $0x1  }
0x3d: {  	[sflag:s31] =	ssyncpa.u1 $0x1  }
0x3e: {  	p0 =	sne.s32 s0, $0x0;
	_ =	strace $0x9000004A  }
0x3f: {  	s0 =	sadd.s32 @!p0 $0x100000, s1;
	[bflag:$0x2] =	sbarrier.arrive $0xFFFF  }
0x40: {  	[sflag:s0] =	ssyncadd.tile.s32 @!p0 $0x1;
	_ =	shalt  }
.Lfunc_end1:
_tile_overlayer_lowered:
.L_overlay_start_2:
0x41: {  	(tag) =	ssettag $0x2  }
0x42: {  	s0 =	rddreg [dreg:$0x0];
	s2 =	stileid.u32  }
0x43: {  	s1 =	rddreg [dreg:$0x1];
	p0 =	sne.s32 s2, $0x0  }
0x44: {  	s3 =	rddreg [dreg:$0x2];
	[bflag:$0x3] =	sbarrier.arrive $0xFFFF;
	s2 =	simm.s32 @!p0 $0x1C01  }
0x45: {  	[timem:s3], [sflag:s2] =	dma.local @!p0 [hbm:s0], s1  }
0x46: {  	s0 =	simm.s32 @!p0 $0x1  }
0x47: {  	_ =	swait.ge @!p0 [sflag:s0], s1  }
0x48: {  	s1 =	ssub.s32 @!p0 $0x0, s1;
	[sflag:s0] =	ssyncset.done @!p0 $0x0  }
0x49: {  	[sflag:s0] =	ssyncadd.s32 @!p0 s1  }
0x4a: {  	[bflag:$0x3] =	sbarrier.arrive $0xFFFF  }
0x4b: {  	_ =	shalt  }

</sc_bundles>
